<compile_context>
chip_gen: v7x
topology: tpu7x:2x2x1
jax: 0.10.2.dev20260603
libtpu: 0.0.44.dev20260713+nightly
codegen_flags: <defaults>
</compile_context>

<pallas_src>
import functools

import jax
import jax.numpy as jnp
from jax import lax
from jax.experimental import pallas as pl
from jax.experimental.pallas import tpu as pltpu, tpu_sc as plsc

K = 1024
D = 512
BN = 256
SEG = 3


def _argmin_kernel(z_ref, cbt_ref, idx_ref):
    zb = z_ref[...]
    cbt = cbt_ref[...]
    dots = jax.lax.dot_general(
        zb, cbt, (((1,), (0,)), ((), ())),
        preferred_element_type=jnp.float32)
    e_sq = jnp.sum(cbt * cbt, axis=0, keepdims=True)
    scores = e_sq - 2.0 * dots
    idx_ref[0, 0, :] = jnp.argmin(scores, axis=1).astype(jnp.int32)


def _tc_indices(zf, codebook_t):
    n = zf.shape[0]
    nb = n // BN
    idx = pl.pallas_call(
        _argmin_kernel,
        grid=(nb,),
        in_specs=[
            pl.BlockSpec((BN, D), lambda i: (i, 0)),
            pl.BlockSpec((D, K), lambda i: (0, 0)),
        ],
        out_specs=pl.BlockSpec((1, 1, BN), lambda i: (i, 0, 0)),
        out_shape=jax.ShapeDtypeStruct((nb, 1, BN), jnp.int32),
    )(zf, codebook_t)
    return idx.reshape(n)


def _make_sc_gather(n):
    info = plsc.get_sparse_core_info()
    nw = info.num_cores * info.num_subcores
    b_per_w = n // nw
    mesh = plsc.VectorSubcoreMesh(core_axis_name="c", subcore_axis_name="s")

    @functools.partial(
        pl.kernel, mesh=mesh,
        out_type=jax.ShapeDtypeStruct((n, D), jnp.float32),
        scratch_types=[
            pltpu.VMEM((b_per_w,), jnp.int32),
            pltpu.VMEM((b_per_w, D), jnp.float32),
            pltpu.SemaphoreType.DMA,
        ],
    )
    def gather(table_hbm, idx_hbm, out_hbm, idx_v, rows_v, sem):
        wid = lax.axis_index("s") * info.num_cores + lax.axis_index("c")
        base = wid * b_per_w
        pltpu.sync_copy(idx_hbm.at[pl.ds(base, b_per_w)], idx_v)
        pltpu.async_copy(table_hbm.at[idx_v], rows_v, sem).wait()
        pltpu.sync_copy(rows_v, out_hbm.at[pl.ds(base, b_per_w)])

    return gather


def kernel(z, codebook):
    B, T, Dd = z.shape
    zf = z.reshape(-1, Dd)
    n = zf.shape[0]
    seg_n = n // SEG
    sc_gather = _make_sc_gather(seg_n)
    cbt = codebook.T
    qs = []
    for s in range(SEG):
        zseg = lax.slice_in_dim(zf, s * seg_n, (s + 1) * seg_n, axis=0)
        idx = _tc_indices(zseg, cbt)
        qs.append(sc_gather(codebook, idx))
    return jnp.concatenate(qs, axis=0).reshape(B, T, Dd)

# --- scband reference (transcript-rebuilt; emitter-appended) ---
"""Pipeline reference for scband-discrete-vae-4587025072162 (READ-ONLY COPY).

The authoritative reference and input builder live on the scoring server;
editing this copy changes nothing except your own understanding.
"""

import jax, jax.numpy as jnp
import numpy as np

K = 1024
D = 512
B = 16
T = 576

def setup_inputs(seed: int = 0) -> dict:
    key = jax.random.key(seed)
    k1, k2 = jax.random.split(key)
    z = jax.random.normal(k1, (B, T, D), dtype=jnp.float32)
    codebook = jax.random.normal(k2, (K, D), dtype=jnp.float32)
    return {"z": z, "codebook": codebook}

def reference(z, codebook):
    # Vector-quantization: nearest codebook entry per token.
    zf = z.reshape(-1, D)  # [B*T, D]
    # squared L2 distances: ||z||^2 - 2 z.e + ||e||^2
    z_sq = jnp.sum(zf * zf, axis=1, keepdims=True)            # [N,1]
    e_sq = jnp.sum(codebook * codebook, axis=1)[None, :]      # [1,K]
    dots = zf @ codebook.T                                     # [N,K]
    dists = z_sq - 2.0 * dots + e_sq
    indices = jnp.argmin(dists, axis=1)                        # [N]
    quantized = jnp.take(codebook, indices, axis=0)            # [N,D] gather
    quantized = quantized.reshape(B, T, D)
    # straight-through estimator output
    out = z + jax.lax.stop_gradient(quantized - z)
    return out

if __name__ == "__main__":
    import jax
    _d = setup_inputs()
    print(jax.jit(kernel)(*tuple(_d.values())))

</pallas_src>

<mosaic_0001>
#map = affine_map<(d0, d1) -> (0, 0)>
#map1 = affine_map<(d0, d1) -> (0)>
module attributes {stable_mosaic.version = 14 : i64} {
  func.func @gather(%arg0: i32, %arg1: i32, %arg2: memref<1024x512xf32, #tpu.memory_space<hbm>>, %arg3: memref<3072xi32, #tpu.memory_space<hbm>>, %arg4: memref<3072x512xf32, #tpu.memory_space<hbm>>, %arg5: memref<96xi32, #tpu.memory_space<vmem>>, %arg6: memref<96x512xf32, #tpu.memory_space<vmem>>, %arg7: memref<!tpu.dma_semaphore, #tpu.memory_space<semaphore_mem>>) attributes {dimension_semantics = [#tpu.dimension_semantics<core_parallel>, #tpu.dimension_semantics<subcore_parallel>], iteration_bounds = array<i64: 2, 16>, scalar_prefetch = 0 : i64, scratch_operands = 3 : i64, tpu.core_type = #tpu.core_type<sc_vector_subcore>, window_params = [{transform_indices = #map}, {transform_indices = #map1}, {transform_indices = #map}]} {
    %mul3A = arith.constant 2 : i32
    %mul3A_0 = arith.muli %arg1, %mul3A : i32
    %add3A = arith.addi %mul3A_0, %arg0 : i32
    %mul3A_1 = arith.constant 96 : i32
    %mul3A_2 = arith.muli %add3A, %mul3A_1 : i32
    "tpu.region"() ({
      %run_scoped3A = tpu.sem_alloc : memref<!tpu.dma_semaphore, #tpu.memory_space<semaphore_mem>>
      %dma_start3A_7 = tpu.memref_slice %arg3[%mul3A_2] : memref<3072xi32, #tpu.memory_space<hbm>> -> memref<96xi32, #tpu.memory_space<hbm>>
      %dma_start3A_8 = tpu.memref_slice %arg3[%mul3A_2] : memref<3072xi32, #tpu.memory_space<hbm>> -> memref<96xi32, #tpu.memory_space<hbm>>
      tpu.enqueue_dma source(%dma_start3A_8 : memref<96xi32, #tpu.memory_space<hbm>>) target(%arg5 : memref<96xi32, #tpu.memory_space<vmem>>) target_semaphore(%run_scoped3A : memref<!tpu.dma_semaphore, #tpu.memory_space<semaphore_mem>>)
      %dma_wait3A_9 = tpu.memref_slice %arg3[%mul3A_2] : memref<3072xi32, #tpu.memory_space<hbm>> -> memref<96xi32, #tpu.memory_space<hbm>>
      %dma_wait3A_10 = tpu.memref_slice %arg3[%mul3A_2] : memref<3072xi32, #tpu.memory_space<hbm>> -> memref<96xi32, #tpu.memory_space<hbm>>
      tpu.wait_dma2 semaphore(%run_scoped3A : memref<!tpu.dma_semaphore, #tpu.memory_space<semaphore_mem>>) src(%dma_wait3A_10 : memref<96xi32, #tpu.memory_space<hbm>>) dst(%arg5 : memref<96xi32, #tpu.memory_space<vmem>>)
      tpu.yield
    }) : () -> ()
    %dma_start3A = arith.constant 0 : i32
    %dma_start3A_3 = arith.constant 0 : i32
    %dma_start3A_4 = tpu.memref_slice %arg2[%dma_start3A, %dma_start3A_3] : memref<1024x512xf32, #tpu.memory_space<hbm>> -> memref<1024x512xf32, #tpu.memory_space<hbm>>
    tpu.enqueue_indirect_dma source(%dma_start3A_4 : memref<1024x512xf32, #tpu.memory_space<hbm>>) target(%arg6 : memref<96x512xf32, #tpu.memory_space<vmem>>) offsets(%arg5 : memref<96xi32, #tpu.memory_space<vmem>>) semaphore(%arg7 : memref<!tpu.dma_semaphore, #tpu.memory_space<semaphore_mem>>)
    %dma_wait3A = arith.constant 0 : i32
    %dma_wait3A_5 = arith.constant 0 : i32
    %dma_wait3A_6 = tpu.memref_slice %arg2[%dma_wait3A, %dma_wait3A_5] : memref<1024x512xf32, #tpu.memory_space<hbm>> -> memref<1024x512xf32, #tpu.memory_space<hbm>>
    tpu.wait_indirect_dma semaphore(%arg7 : memref<!tpu.dma_semaphore, #tpu.memory_space<semaphore_mem>>) src(%dma_wait3A_6 : memref<1024x512xf32, #tpu.memory_space<hbm>>) dst(%arg6 : memref<96x512xf32, #tpu.memory_space<vmem>>)
    "tpu.region"() ({
      %run_scoped3A = tpu.sem_alloc : memref<!tpu.dma_semaphore, #tpu.memory_space<semaphore_mem>>
      %dma_start3A_7 = arith.constant 0 : i32
      %dma_start3A_8 = tpu.memref_slice %arg4[%mul3A_2, %dma_start3A_7] : memref<3072x512xf32, #tpu.memory_space<hbm>> -> memref<96x512xf32, #tpu.memory_space<hbm>>
      %dma_start3A_9 = arith.constant 0 : i32
      %dma_start3A_10 = tpu.memref_slice %arg4[%mul3A_2, %dma_start3A_9] : memref<3072x512xf32, #tpu.memory_space<hbm>> -> memref<96x512xf32, #tpu.memory_space<hbm>>
      tpu.enqueue_dma source(%arg6 : memref<96x512xf32, #tpu.memory_space<vmem>>) target(%dma_start3A_10 : memref<96x512xf32, #tpu.memory_space<hbm>>) target_semaphore(%run_scoped3A : memref<!tpu.dma_semaphore, #tpu.memory_space<semaphore_mem>>)
      %dma_wait3A_11 = arith.constant 0 : i32
      %dma_wait3A_12 = tpu.memref_slice %arg4[%mul3A_2, %dma_wait3A_11] : memref<3072x512xf32, #tpu.memory_space<hbm>> -> memref<96x512xf32, #tpu.memory_space<hbm>>
      %dma_wait3A_13 = arith.constant 0 : i32
      %dma_wait3A_14 = tpu.memref_slice %arg4[%mul3A_2, %dma_wait3A_13] : memref<3072x512xf32, #tpu.memory_space<hbm>> -> memref<96x512xf32, #tpu.memory_space<hbm>>
      tpu.wait_dma2 semaphore(%run_scoped3A : memref<!tpu.dma_semaphore, #tpu.memory_space<semaphore_mem>>) src(%arg6 : memref<96x512xf32, #tpu.memory_space<vmem>>) dst(%dma_wait3A_14 : memref<96x512xf32, #tpu.memory_space<hbm>>)
      tpu.yield
    }) : () -> ()
    return
  }
}

#map = affine_map<(d0, d1) -> (0, 0)>
#map1 = affine_map<(d0, d1) -> (0)>
module attributes {stable_mosaic.version = 14 : i64} {
  func.func @gather(%arg0: i32, %arg1: i32, %arg2: memref<1024x512xf32, #tpu.memory_space<hbm>>, %arg3: memref<3072xi32, #tpu.memory_space<hbm>>, %arg4: memref<3072x512xf32, #tpu.memory_space<hbm>>, %arg5: memref<96xi32, #tpu.memory_space<vmem>>, %arg6: memref<96x512xf32, #tpu.memory_space<vmem>>, %arg7: memref<!tpu.dma_semaphore, #tpu.memory_space<semaphore_mem>>) attributes {dimension_semantics = [#tpu.dimension_semantics<core_parallel>, #tpu.dimension_semantics<subcore_parallel>], iteration_bounds = array<i64: 2, 16>, scalar_prefetch = 0 : i64, scratch_operands = 3 : i64, tpu.core_type = #tpu.core_type<sc_vector_subcore>, window_params = [{transform_indices = #map}, {transform_indices = #map1}, {transform_indices = #map}]} {
    %mul3A = arith.constant 2 : i32
    %mul3A_0 = arith.muli %arg1, %mul3A : i32
    %add3A = arith.addi %mul3A_0, %arg0 : i32
    %mul3A_1 = arith.constant 96 : i32
    %mul3A_2 = arith.muli %add3A, %mul3A_1 : i32
    "tpu.region"() ({
      %run_scoped3A = tpu.sem_alloc : memref<!tpu.dma_semaphore, #tpu.memory_space<semaphore_mem>>
      %dma_start3A_7 = tpu.memref_slice %arg3[%mul3A_2] : memref<3072xi32, #tpu.memory_space<hbm>> -> memref<96xi32, #tpu.memory_space<hbm>>
      %dma_start3A_8 = tpu.memref_slice %arg3[%mul3A_2] : memref<3072xi32, #tpu.memory_space<hbm>> -> memref<96xi32, #tpu.memory_space<hbm>>
      tpu.enqueue_dma source(%dma_start3A_8 : memref<96xi32, #tpu.memory_space<hbm>>) target(%arg5 : memref<96xi32, #tpu.memory_space<vmem>>) target_semaphore(%run_scoped3A : memref<!tpu.dma_semaphore, #tpu.memory_space<semaphore_mem>>)
      %dma_wait3A_9 = tpu.memref_slice %arg3[%mul3A_2] : memref<3072xi32, #tpu.memory_space<hbm>> -> memref<96xi32, #tpu.memory_space<hbm>>
      %dma_wait3A_10 = tpu.memref_slice %arg3[%mul3A_2] : memref<3072xi32, #tpu.memory_space<hbm>> -> memref<96xi32, #tpu.memory_space<hbm>>
      tpu.wait_dma2 semaphore(%run_scoped3A : memref<!tpu.dma_semaphore, #tpu.memory_space<semaphore_mem>>) src(%dma_wait3A_10 : memref<96xi32, #tpu.memory_space<hbm>>) dst(%arg5 : memref<96xi32, #tpu.memory_space<vmem>>)
      tpu.yield
    }) : () -> ()
    %dma_start3A = arith.constant 0 : i32
    %dma_start3A_3 = arith.constant 0 : i32
    %dma_start3A_4 = tpu.memref_slice %arg2[%dma_start3A, %dma_start3A_3] : memref<1024x512xf32, #tpu.memory_space<hbm>> -> memref<1024x512xf32, #tpu.memory_space<hbm>>
    tpu.enqueue_indirect_dma source(%dma_start3A_4 : memref<1024x512xf32, #tpu.memory_space<hbm>>) target(%arg6 : memref<96x512xf32, #tpu.memory_space<vmem>>) offsets(%arg5 : memref<96xi32, #tpu.memory_space<vmem>>) semaphore(%arg7 : memref<!tpu.dma_semaphore, #tpu.memory_space<semaphore_mem>>)
    %dma_wait3A = arith.constant 0 : i32
    %dma_wait3A_5 = arith.constant 0 : i32
    %dma_wait3A_6 = tpu.memref_slice %arg2[%dma_wait3A, %dma_wait3A_5] : memref<1024x512xf32, #tpu.memory_space<hbm>> -> memref<1024x512xf32, #tpu.memory_space<hbm>>
    tpu.wait_indirect_dma semaphore(%arg7 : memref<!tpu.dma_semaphore, #tpu.memory_space<semaphore_mem>>) src(%dma_wait3A_6 : memref<1024x512xf32, #tpu.memory_space<hbm>>) dst(%arg6 : memref<96x512xf32, #tpu.memory_space<vmem>>)
    "tpu.region"() ({
      %run_scoped3A = tpu.sem_alloc : memref<!tpu.dma_semaphore, #tpu.memory_space<semaphore_mem>>
      %dma_start3A_7 = arith.constant 0 : i32
      %dma_start3A_8 = tpu.memref_slice %arg4[%mul3A_2, %dma_start3A_7] : memref<3072x512xf32, #tpu.memory_space<hbm>> -> memref<96x512xf32, #tpu.memory_space<hbm>>
      %dma_start3A_9 = arith.constant 0 : i32
      %dma_start3A_10 = tpu.memref_slice %arg4[%mul3A_2, %dma_start3A_9] : memref<3072x512xf32, #tpu.memory_space<hbm>> -> memref<96x512xf32, #tpu.memory_space<hbm>>
      tpu.enqueue_dma source(%arg6 : memref<96x512xf32, #tpu.memory_space<vmem>>) target(%dma_start3A_10 : memref<96x512xf32, #tpu.memory_space<hbm>>) target_semaphore(%run_scoped3A : memref<!tpu.dma_semaphore, #tpu.memory_space<semaphore_mem>>)
      %dma_wait3A_11 = arith.constant 0 : i32
      %dma_wait3A_12 = tpu.memref_slice %arg4[%mul3A_2, %dma_wait3A_11] : memref<3072x512xf32, #tpu.memory_space<hbm>> -> memref<96x512xf32, #tpu.memory_space<hbm>>
      %dma_wait3A_13 = arith.constant 0 : i32
      %dma_wait3A_14 = tpu.memref_slice %arg4[%mul3A_2, %dma_wait3A_13] : memref<3072x512xf32, #tpu.memory_space<hbm>> -> memref<96x512xf32, #tpu.memory_space<hbm>>
      tpu.wait_dma2 semaphore(%run_scoped3A : memref<!tpu.dma_semaphore, #tpu.memory_space<semaphore_mem>>) src(%arg6 : memref<96x512xf32, #tpu.memory_space<vmem>>) dst(%dma_wait3A_14 : memref<96x512xf32, #tpu.memory_space<hbm>>)
      tpu.yield
    }) : () -> ()
    return
  }
}

#map = affine_map<(d0, d1) -> (0, 0)>
#map1 = affine_map<(d0, d1) -> (0)>
module attributes {stable_mosaic.version = 14 : i64} {
  func.func @gather(%arg0: i32, %arg1: i32, %arg2: memref<1024x512xf32, #tpu.memory_space<hbm>>, %arg3: memref<3072xi32, #tpu.memory_space<hbm>>, %arg4: memref<3072x512xf32, #tpu.memory_space<hbm>>, %arg5: memref<96xi32, #tpu.memory_space<vmem>>, %arg6: memref<96x512xf32, #tpu.memory_space<vmem>>, %arg7: memref<!tpu.dma_semaphore, #tpu.memory_space<semaphore_mem>>) attributes {dimension_semantics = [#tpu.dimension_semantics<core_parallel>, #tpu.dimension_semantics<subcore_parallel>], iteration_bounds = array<i64: 2, 16>, scalar_prefetch = 0 : i64, scratch_operands = 3 : i64, tpu.core_type = #tpu.core_type<sc_vector_subcore>, window_params = [{transform_indices = #map}, {transform_indices = #map1}, {transform_indices = #map}]} {
    %mul3A = arith.constant 2 : i32
    %mul3A_0 = arith.muli %arg1, %mul3A : i32
    %add3A = arith.addi %mul3A_0, %arg0 : i32
    %mul3A_1 = arith.constant 96 : i32
    %mul3A_2 = arith.muli %add3A, %mul3A_1 : i32
    "tpu.region"() ({
      %run_scoped3A = tpu.sem_alloc : memref<!tpu.dma_semaphore, #tpu.memory_space<semaphore_mem>>
      %dma_start3A_7 = tpu.memref_slice %arg3[%mul3A_2] : memref<3072xi32, #tpu.memory_space<hbm>> -> memref<96xi32, #tpu.memory_space<hbm>>
      %dma_start3A_8 = tpu.memref_slice %arg3[%mul3A_2] : memref<3072xi32, #tpu.memory_space<hbm>> -> memref<96xi32, #tpu.memory_space<hbm>>
      tpu.enqueue_dma source(%dma_start3A_8 : memref<96xi32, #tpu.memory_space<hbm>>) target(%arg5 : memref<96xi32, #tpu.memory_space<vmem>>) target_semaphore(%run_scoped3A : memref<!tpu.dma_semaphore, #tpu.memory_space<semaphore_mem>>)
      %dma_wait3A_9 = tpu.memref_slice %arg3[%mul3A_2] : memref<3072xi32, #tpu.memory_space<hbm>> -> memref<96xi32, #tpu.memory_space<hbm>>
      %dma_wait3A_10 = tpu.memref_slice %arg3[%mul3A_2] : memref<3072xi32, #tpu.memory_space<hbm>> -> memref<96xi32, #tpu.memory_space<hbm>>
      tpu.wait_dma2 semaphore(%run_scoped3A : memref<!tpu.dma_semaphore, #tpu.memory_space<semaphore_mem>>) src(%dma_wait3A_10 : memref<96xi32, #tpu.memory_space<hbm>>) dst(%arg5 : memref<96xi32, #tpu.memory_space<vmem>>)
      tpu.yield
    }) : () -> ()
    %dma_start3A = arith.constant 0 : i32
    %dma_start3A_3 = arith.constant 0 : i32
    %dma_start3A_4 = tpu.memref_slice %arg2[%dma_start3A, %dma_start3A_3] : memref<1024x512xf32, #tpu.memory_space<hbm>> -> memref<1024x512xf32, #tpu.memory_space<hbm>>
    tpu.enqueue_indirect_dma source(%dma_start3A_4 : memref<1024x512xf32, #tpu.memory_space<hbm>>) target(%arg6 : memref<96x512xf32, #tpu.memory_space<vmem>>) offsets(%arg5 : memref<96xi32, #tpu.memory_space<vmem>>) semaphore(%arg7 : memref<!tpu.dma_semaphore, #tpu.memory_space<semaphore_mem>>)
    %dma_wait3A = arith.constant 0 : i32
    %dma_wait3A_5 = arith.constant 0 : i32
    %dma_wait3A_6 = tpu.memref_slice %arg2[%dma_wait3A, %dma_wait3A_5] : memref<1024x512xf32, #tpu.memory_space<hbm>> -> memref<1024x512xf32, #tpu.memory_space<hbm>>
    tpu.wait_indirect_dma semaphore(%arg7 : memref<!tpu.dma_semaphore, #tpu.memory_space<semaphore_mem>>) src(%dma_wait3A_6 : memref<1024x512xf32, #tpu.memory_space<hbm>>) dst(%arg6 : memref<96x512xf32, #tpu.memory_space<vmem>>)
    "tpu.region"() ({
      %run_scoped3A = tpu.sem_alloc : memref<!tpu.dma_semaphore, #tpu.memory_space<semaphore_mem>>
      %dma_start3A_7 = arith.constant 0 : i32
      %dma_start3A_8 = tpu.memref_slice %arg4[%mul3A_2, %dma_start3A_7] : memref<3072x512xf32, #tpu.memory_space<hbm>> -> memref<96x512xf32, #tpu.memory_space<hbm>>
      %dma_start3A_9 = arith.constant 0 : i32
      %dma_start3A_10 = tpu.memref_slice %arg4[%mul3A_2, %dma_start3A_9] : memref<3072x512xf32, #tpu.memory_space<hbm>> -> memref<96x512xf32, #tpu.memory_space<hbm>>
      tpu.enqueue_dma source(%arg6 : memref<96x512xf32, #tpu.memory_space<vmem>>) target(%dma_start3A_10 : memref<96x512xf32, #tpu.memory_space<hbm>>) target_semaphore(%run_scoped3A : memref<!tpu.dma_semaphore, #tpu.memory_space<semaphore_mem>>)
      %dma_wait3A_11 = arith.constant 0 : i32
      %dma_wait3A_12 = tpu.memref_slice %arg4[%mul3A_2, %dma_wait3A_11] : memref<3072x512xf32, #tpu.memory_space<hbm>> -> memref<96x512xf32, #tpu.memory_space<hbm>>
      %dma_wait3A_13 = arith.constant 0 : i32
      %dma_wait3A_14 = tpu.memref_slice %arg4[%mul3A_2, %dma_wait3A_13] : memref<3072x512xf32, #tpu.memory_space<hbm>> -> memref<96x512xf32, #tpu.memory_space<hbm>>
      tpu.wait_dma2 semaphore(%run_scoped3A : memref<!tpu.dma_semaphore, #tpu.memory_space<semaphore_mem>>) src(%arg6 : memref<96x512xf32, #tpu.memory_space<vmem>>) dst(%dma_wait3A_14 : memref<96x512xf32, #tpu.memory_space<hbm>>)
      tpu.yield
    }) : () -> ()
    return
  }
}

module attributes {stable_mosaic.version = 14 : i64} {
  func.func @_argmin_kernel(%arg0: i32, %arg1: memref<256x512xf32, #tpu.memory_space<vmem>>, %arg2: memref<512x1024xf32, #tpu.memory_space<vmem>>, %arg3: memref<1x1x256xi32, #tpu.memory_space<vmem>>) attributes {dimension_semantics = [#tpu.dimension_semantics<arbitrary>], iteration_bounds = array<i64: 12>, scalar_prefetch = 0 : i64, scratch_operands = 0 : i64, tpu.core_type = #tpu.core_type<tc>, window_params = [{transform_indices = @transform_0, window_bounds = array<i64: 256, 512>}, {pipeline_mode = #tpu.pipeline_mode<synchronous>, transform_indices = @transform_1, window_bounds = array<i64: 512, 1024>}, {transform_indices = @transform_2, window_bounds = array<i64: 1, 1, 256>}]} {
    %get3A = arith.constant 0 : index
    %get3A_0 = arith.constant 0 : index
    %get3A_1 = vector.load %arg1[%get3A, %get3A_0] : memref<256x512xf32, #tpu.memory_space<vmem>>, vector<256x512xf32>
    %get3A_2 = arith.constant 0 : index
    %get3A_3 = arith.constant 0 : index
    %get3A_4 = vector.load %arg2[%get3A_2, %get3A_3] : memref<512x1024xf32, #tpu.memory_space<vmem>>, vector<512x1024xf32>
    %dot_general3A = arith.constant dense<0.000000e+00> : vector<256x1024xf32>
    %dot_general3A_5 = tpu.matmul %get3A_1, %get3A_4, %dot_general3A {dimension_numbers = #tpu.dot_dimension_numbers<[1], [0], [0], [1], [0, 0, 1, 1], [], []>, transpose_lhs_hint = false} : vector<256x512xf32>, vector<512x1024xf32>, vector<256x1024xf32> -> vector<256x1024xf32>
    %mul3A = arith.mulf %get3A_4, %get3A_4 : vector<512x1024xf32>
    %reduce_sum3A = arith.constant dense<0.000000e+00> : vector<1024xf32>
    %reduce_sum3A_6 = vector.multi_reduction <add>, %mul3A, %reduce_sum3A [0] : vector<512x1024xf32> to vector<1024xf32>
    %broadcast_in_dim3A = vector.shape_cast %reduce_sum3A_6 : vector<1024xf32> to vector<1x1024xf32>
    %mul3A_7 = arith.constant 2.000000e+00 : f32
    %mul3A_8 = vector.broadcast %mul3A_7 : f32 to vector<256x1024xf32>
    %mul3A_9 = arith.mulf %mul3A_8, %dot_general3A_5 : vector<256x1024xf32>
    %sub3A = vector.broadcast %broadcast_in_dim3A : vector<1x1024xf32> to vector<256x1024xf32>
    %sub3A_10 = arith.subf %sub3A, %mul3A_9 : vector<256x1024xf32>
    %argmin3A = tpu.reduce_index %sub3A_10 {axis = 1 : i32, kind = #tpu.reduction_kind<arg_min>} : vector<256x1024xf32> -> vector<256xi32>
    %swap3A = arith.constant 0 : index
    %swap3A_11 = arith.constant 0 : index
    %swap3A_12 = arith.constant 0 : index
    %swap3A_13 = vector.load %arg3[%swap3A, %swap3A_11, %swap3A_12] : memref<1x1x256xi32, #tpu.memory_space<vmem>>, vector<1x1x256xi32>
    %swap3A_14 = vector.shape_cast %swap3A_13 : vector<1x1x256xi32> to vector<256xi32>
    %swap3A_15 = vector.shape_cast %argmin3A : vector<256xi32> to vector<1x1x256xi32>
    tpu.vector_store %arg3[%swap3A, %swap3A_11, %swap3A_12], %swap3A_15 {strides = array<i32>} : memref<1x1x256xi32, #tpu.memory_space<vmem>>, vector<1x1x256xi32>,
    return
  }
  func.func @transform_0(%arg0: i32) -> (i32, i32) {
    %c0_i32 = arith.constant 0 : i32
    %c0_i32_0 = arith.constant 0 : i32
    return %arg0, %c0_i32 : i32, i32
  }
  func.func @transform_1(%arg0: i32) -> (i32, i32) {
    %c0_i32 = arith.constant 0 : i32
    %c0_i32_0 = arith.constant 0 : i32
    %c0_i32_1 = arith.constant 0 : i32
    return %c0_i32, %c0_i32_0 : i32, i32
  }
  func.func @transform_2(%arg0: i32) -> (i32, i32, i32) {
    %c0_i32 = arith.constant 0 : i32
    %c0_i32_0 = arith.constant 0 : i32
    %c0_i32_1 = arith.constant 0 : i32
    return %arg0, %c0_i32, %c0_i32_0 : i32, i32, i32
  }
}

</mosaic_0001>

<sc_bundles>
// kernel: kernel.11.cloned.1.call-start
scs
__scs_entry_jumppad:
0x0: {  	(pc) =	sbr.rel $0x88, $3  }
0x1: {  	(tag) =	ssettag $0x0;
	lr =	simm.s32 $0x1  }
0x2: {  	[smem:$0x3F9F] =	sst lr;
	_ =	strace $0xD0000000  }
0x3: {  	_ = 	snop  }
0x4: {  	_ = 	snop  }
0x5: {  	_ = 	snop  }
0x6: {  	_ = 	snop  }
0x7: {  	_ = 	snop  }
__scs_overlays_trampoline_lowered:
0x8: {  	[smem:$0x3FAE] =	sst s0  }
0x9: {  	[smem:$0x3FAF] =	sst s1  }
0xa: {  	[smem:$0x3FB0] =	sst s2  }
0xb: {  	[smem:$0x3FB1] =	sst s3  }
0xc: {  	[smem:$0x3FB2] =	sst s4  }
0xd: {  	[smem:$0x3FB3] =	sst s5  }
0xe: {  	[smem:$0x3FB4] =	sst s6  }
0xf: {  	[smem:$0x3FB5] =	sst s7  }
0x10: {  	[smem:$0x3FB6] =	sst s8  }
0x11: {  	[smem:$0x3FB7] =	sst s9;
	s0 =	simm.s32 @!p0 $0x0  }
0x12: {  	s1 =	sld [smem:$0x3F9D];
	s0 =	simm.s32 @p0 $0x1  }
0x13: {  	[smem:$0x3FB8] =	sst s0;
	s0 =	simm.s32 @!p1 $0x0  }
0x14: {  	s2 =	sld [smem:$0x3F9C];
	s0 =	simm.s32 @p1 $0x1  }
0x15: {  	[smem:$0x3FB9] =	sst s0;
	s0 =	simm.s32 @!p2 $0x0  }
0x16: {  	s3 =	sld [smem:$0x3FDB];
	s0 =	simm.s32 @p2 $0x1  }
0x17: {  	s4 =	simm.s32 $0x1BF5;
	[smem:$0x3FBB] =	sst s0  }
0x18: {  	s0 =	sld [smem:$0x3F9E];
	_ =	swait.ge [sflag:s4], $0x0  }
0x19: {  	s7 =	sld [smem:$0x3F9F]  }
0x1a: {  	s8 =	sadd.s32 $0xFFFFE003, lr  }
0x1b: {  	s9 =	sadd.s32 $0xFFFFFEF7, lr;
	s5 =	simm.s32 $0xFFFFFFFF;
	p2 =	slt.u32 s8, $0xFFFFF086  }
0x1c: {  	p1 =	slt.u32 s9, $0xF7A;
	s5 =	simm.s32 @!p2 $0x0  }
0x1d: {  	s5 =	simm.s32 @p1 $0x1;
	p0 =	seq.s32 s7, s2  }
0x1e: {  	s7 =	smul.u32 @!p0 $0xF7A, s2;
	p2 =	seq.s32 @!p0 s5, $0x0  }
0x1f: {  	s9 =	smul.u32 $0xF7A, s1;
	s8 =	simm.s32 @!p0 $0x1BF5;
	p2 =	por !p2, p0  }
0x20: {  	[sflag:s8] =	ssyncset.s32 @!p0 $0xFFFFF086;
	s6 =	sadd.s32 @!p0 s3, s7;
	s7 =	simm.s32 @!p0 $0x108  }
0x21: {  	s3 =	sadd.s32 s3, s9;
	s6 =	sadd.s32 @!p0 $0x88, s6;
	s7 =	simm.s32 @p2 $0x1082  }
0x22: {  	[simem:s7], [sflag:s8] =	dma.local @!p0 [hbm:s6], $0xF7A  }
0x23: {  	s9 =	sor.u32 $0xD0000000, s2;
	s6 =	simm.s32 $0x108;
	_ =	swait.ge @!p0 [sflag:s8], $0x0  }
0x24: {  	s3 =	sadd.s32 $0x88, s3;
	s6 =	simm.s32 @!p1 $0x1082;
	[sflag:s4] =	ssyncset.s32 $0xFFFFF086  }
0x25: {  	[simem:s6], [sflag:s4] =	dma.local [hbm:s3], $0xF7A  }
0x26: {  	[smem:$0x3F9F] =	sst s1;
	(tag) =	ssettag s2;
	_ =	strace s9  }
0x27: {  	s1 =	sld [smem:$0x3FAF]  }
0x28: {  	s2 =	sld [smem:$0x3FB0]  }
0x29: {  	s4 =	sld [smem:$0x3FB2]  }
0x2a: {  	p0 =	seq.s32 s5, $0x0;
	s5 =	sld [smem:$0x3FB3]  }
0x2b: {  	s6 =	sld [smem:$0x3FB4]  }
0x2c: {  	s7 =	sld [smem:$0x3FB5]  }
0x2d: {  	s3 =	simm.s32 $0x108;
	s8 =	sld [smem:$0x3FB6]  }
0x2e: {  	s3 =	simm.s32 @!p0 $0x1082;
	s9 =	sld [smem:$0x3FB7]  }
0x2f: {  	lr =	sadd.s32 s0, s3;
	s0 =	sld [smem:$0x3FAE]  }
0x30: {  	s3 =	sld [smem:$0x3FB1]  }
0x31: {  	[smem:$0x3FBA] =	sst s10  }
0x32: {  	s10 =	sld [smem:$0x3FB8];
	_ =	sdelay $0x3  }
0x33: {  	p0 =	seq.s32 s10, $0x1;
	s10 =	sld [smem:$0x3FBA];
	_ =	sdelay $0x3  }
0x34: {  	[smem:$0x3FBA] =	sst s10  }
0x35: {  	s10 =	sld [smem:$0x3FB9];
	_ =	sdelay $0x3  }
0x36: {  	p1 =	seq.s32 s10, $0x1;
	s10 =	sld [smem:$0x3FBA];
	_ =	sdelay $0x3  }
0x37: {  	[smem:$0x3FBA] =	sst s10  }
0x38: {  	s10 =	sld [smem:$0x3FBB]  }
0x39: {  	_ = 	snop;
	(pc) =	sbr.ind lr, $3  }
0x3a: {  	_ = 	snop  }
0x3b: {  	_ = 	snop  }
0x3c: {  	p2 =	seq.s32 s10, $0x1;
	s10 =	sld [smem:$0x3FBA]  }
0x3d: {  	_ =	shalt  }
0x3e: {  	_ =	shalt  }
0x3f: {  	_ =	shalt  }
0x40: {  	_ =	shalt  }
0x41: {  	_ =	shalt  }
0x42: {  	_ =	shalt  }
0x43: {  	_ =	shalt  }
0x44: {  	_ =	shalt  }
0x45: {  	_ =	shalt  }
0x46: {  	_ =	shalt  }
0x47: {  	_ =	shalt  }
0x48: {  	_ =	shalt  }
0x49: {  	_ =	shalt  }
0x4a: {  	_ =	shalt  }
0x4b: {  	_ =	shalt  }
0x4c: {  	_ =	shalt  }
0x4d: {  	_ =	shalt  }
0x4e: {  	_ =	shalt  }
0x4f: {  	_ =	shalt  }
0x50: {  	_ =	shalt  }
0x51: {  	_ =	shalt  }
0x52: {  	_ =	shalt  }
0x53: {  	_ =	shalt  }
0x54: {  	_ =	shalt  }
0x55: {  	_ =	shalt  }
0x56: {  	_ =	shalt  }
0x57: {  	_ =	shalt  }
0x58: {  	_ =	shalt  }
0x59: {  	_ =	shalt  }
0x5a: {  	_ =	shalt  }
0x5b: {  	_ =	shalt  }
0x5c: {  	_ =	shalt  }
0x5d: {  	_ =	shalt  }
0x5e: {  	_ =	shalt  }
0x5f: {  	_ =	shalt  }
0x60: {  	_ =	shalt  }
0x61: {  	_ =	shalt  }
0x62: {  	_ =	shalt  }
0x63: {  	_ =	shalt  }
0x64: {  	_ =	shalt  }
0x65: {  	_ =	shalt  }
0x66: {  	_ =	shalt  }
0x67: {  	_ =	shalt  }
0x68: {  	_ =	shalt  }
0x69: {  	_ =	shalt  }
0x6a: {  	_ =	shalt  }
0x6b: {  	_ =	shalt  }
0x6c: {  	_ =	shalt  }
0x6d: {  	_ =	shalt  }
0x6e: {  	_ =	shalt  }
0x6f: {  	_ =	shalt  }
0x70: {  	_ =	shalt  }
0x71: {  	_ =	shalt  }
0x72: {  	_ =	shalt  }
0x73: {  	_ =	shalt  }
0x74: {  	_ =	shalt  }
0x75: {  	_ =	shalt  }
0x76: {  	_ =	shalt  }
0x77: {  	_ =	shalt  }
0x78: {  	_ =	shalt  }
0x79: {  	_ =	shalt  }
0x7a: {  	_ =	shalt  }
0x7b: {  	_ =	shalt  }
0x7c: {  	_ =	shalt  }
0x7d: {  	_ =	shalt  }
0x7e: {  	_ =	shalt  }
0x7f: {  	_ =	shalt  }
0x80: {  	_ =	shalt  }
0x81: {  	_ =	shalt  }
0x82: {  	_ =	shalt  }
0x83: {  	_ =	shalt  }
0x84: {  	_ =	shalt  }
0x85: {  	_ =	shalt  }
0x86: {  	_ =	shalt  }
0x87: {  	_ =	shalt  }
.Lfunc_end0:
.L_simem_size_0:
called_computation.1_lowered:
.L_overlay_start_0:
0x88: {  	s2 =	sld [smem:$0x3FD9]  }
0x89: {  	s3 =	sld [smem:$0x3FFE];
	_ =	sdelay $0x1  }
0x8a: {  	s1 =	srdreg.scid  }
0x8b: {  	s0 =	sand.u32 $0x1, s1  }
0x8c: {  	s17 =	sshll.u32 s0, $0xA;
	s2 =	sadd.s32 s3, s2  }
0x8d: {  	s2 =	sadd.s32 s2, s17  }
0x8e: {  	[smem:$0x3FC6] =	sst s2  }
0x8f: {  	_ = 	snop  }
0x90: {  	s18 =	sld [smem:$0x3FC8];
	(tm) =	ssettm $0x1  }
0x91: {  	s19 =	sld [smem:$0x3FFB];
	_ =	sdelay $0x3  }
0x92: {  	_ =	strace s19  }
0x93: {  	s2 =	sld [smem:$0x3FFC];
	_ =	sdelay $0x3  }
0x94: {  	_ =	strace s2  }
0x95: {  	s2 =	sld [smem:$0x3FFD];
	_ =	sdelay $0x3  }
0x96: {  	_ =	strace s2  }
0x97: {  	_ =	strace $0x8FFFFFFF  }
0x98: {  	s20 =	sld [smem:$0x3FDB];
	_ =	sdelay $0x1  }
0x99: {  	s4 =	simm.s32 $_scs_section_size  }
0x9a: {  	s5 =	simm.s32 $_size__tile_overlayer_lowered;
	s6 =	simm.s32 $_tile_overlayer_lowered  }
0x9b: {  	s7 =	simm.s32 $0x1BFF;
	s21 =	sshll.u32 s6, $0x1;
	s4 =	sadd.s32 s4, s20  }
0x9c: {  	s22 =	simm.s32 $0x0;
	s5 =	sshll.u32 s5, $0x1;
	s6 =	sadd.s32 s21, s4  }
0x9d: {  	[timem:s22], [sflag:s7] =	dma.local [hbm:s6], s5  }
0x9e: {  	_ =	swait.ge [sflag:s7], s5  }
0x9f: {  	s5 =	ssub.s32 $0x0, s5;
	[sflag:s7] =	ssyncset.done $0x0  }
0xa0: {  	[sflag:s7] =	ssyncadd.s32 s5;
	_ =	sdelay $0x1  }
0xa1: {  	s23 =	simm.s32 $0x1B8B  }
0xa2: {  	_ =	swait.ge [sflag:s23], $0x1  }
0xa3: {  	[sflag:s23] =	ssyncset.done $0x0  }
0xa4: {  	[sflag:s23] =	ssyncadd.s32 $0xFFFFFFFF  }
0xa5: {  	s5 =	sld [smem:$0x0]  }
0xa6: {  	s6 =	sand.u32 $0xFFFFFFFE, s1  }
0xa7: {  	p0 =	sne.s32 s1, s6  }
0xa8: {  	s6 =	sshll.u32 @p0 s6, $0xE  }
0xa9: {  	s6 =	sadd.s32 @p0 $0x11B8D, s6;
	s7 =	sshll.u32 @p0 s5, $0x11  }
0xaa: {  	s6 =	sor.u32 @p0 s7, s6  }
0xab: {  	[sflag:s6] =	ssyncadd.remote.s32 @p0 $0x1;
	_ =	sdelay $0x1  }
0xac: {  	s6 =	simm.s32 @p0 $0x1B8D  }
0xad: {  	_ =	swait.eq @p0 [sflag:s6], $0x1  }
0xae: {  	[sflag:s6] =	ssyncadd.s32 @p0 $0xFFFFFFFF  }
0xaf: {  	s7 =	sshll.u32 @!p0 s1, $0xE  }
0xb0: {  	s7 =	sor.u32 @!p0 $0x4000, s7;
	s6 =	simm.s32 @!p0 $0x1B8D  }
0xb1: {  	s5 =	sshll.u32 @!p0 s5, $0x11;
	s7 =	sadd.s32 @!p0 $0x11B8D, s7;
	_ =	swait.eq @!p0 [sflag:s6], $0x1  }
0xb2: {  	s5 =	sor.u32 @!p0 s5, s7;
	[sflag:s6] =	ssyncadd.s32 @!p0 $0xFFFFFFFF  }
0xb3: {  	s25 =	simm.s32 $0x1B8E;
	s24 =	sld [smem:$0x3FFE];
	[sflag:s5] =	ssyncadd.remote.s32 @!p0 $0x1  }
0xb4: {  	s26 =	simm.s32 $execute0_lowered;
	[smem:$0x3FD2] =	sst s25  }
0xb5: {  	s6 =	sshll.u32 s26, $0x1;
	_ =	strace $0x80000049;
	[dreg:$0x1] =	wrdreg $0xFFFFFFFF  }
0xb6: {  	s28 =	simm.s32 $_size_execute0_lowered;
	s4 =	sadd.s32 s4, s6;
	[dreg:$0x0] =	wrdreg $0x0  }
0xb7: {  	s6 =	sshll.u32 s28, $0x1;
	[dreg:$0x2] =	wrdreg s4  }
0xb8: {  	[dreg:$0x3] =	wrdreg s6  }
0xb9: {  	[dreg:$0x4] =	wrdreg $0xC0  }
0xba: {  	_ =	task [dreg:s22], $0x5FFFF  }
0xbb: {  	[dreg:$0x1] =	wrdreg $0xFFFFFFFF  }
0xbc: {  	[dreg:$0x0] =	wrdreg $0x60  }
0xbd: {  	[dreg:$0x2] =	wrdreg s18  }
0xbe: {  	[dreg:$0x3] =	wrdreg s24  }
0xbf: {  	[dreg:$0x4] =	wrdreg $0xA  }
0xc0: {  	_ =	task.clear_ibuf [dreg:s22], $0x5FFFF;
	_ =	strace $0x90000049  }
0xc1: {  	s29 =	simm.s32 $0xA;
	_ =	strace $0x8000004B  }
0xc2: {  	_ =	swait.ge [sflag:s29], $0x1  }
0xc3: {  	[sflag:s29] =	ssyncadd.s32 $0xFFFFFFFF  }
0xc4: {  	_ =	strace $0x9000004B  }
0xc5: {  	_ =	sfence  }
0xc6: {  	s30 =	sld [smem:$0x0];
	_ =	sdelay $0x2  }
0xc7: {  	s31 =	sshll.u32 s1, $0xD;
	s1 =	sshrl.u32 s1, $0x2  }
0xc8: {  	s4 =	sand.u32 $0x4000, s31;
	s1 =	sadd.s32 s1, s30  }
0xc9: {  	s0 =	sor.u32 s4, s0;
	s1 =	sshll.u32 s1, $0x11  }
0xca: {  	s0 =	sor.u32 s1, s0  }
0xcb: {  	s0 =	sadd.s32 $0x8F2B, s0  }
0xcc: {  	[sflag:s0] =	ssyncadd.remote.s32 $0x1  }
0xcd: {  	_ =	sfence.sel $0xFFFF  }
0xce: {  	[dreg:$0x0] =	wrdreg $0xFFFFFFFF;
	(pc) =	sbr.abs _section_cstart, $3  }
0xcf: {  	[dreg:$0x1] =	wrdreg $0xFFFFFFFF  }
0xd0: {  	_ =	task.clear_ibuf [dreg:s22], $0x2FFFF;
	_ =	strace $0x9FFFFFFF  }
0xd1: {  	(tm) =	ssettm $0x7FFFFFFF  }
tec
execute0_lowered:
.L_overlay_start_1:
0x0: {  	(tag) =	ssettag $0x1  }
0x1: {  	s1 =	srdreg.scid;
	s2 =	rddreg [dreg:$0x0]  }
0x2: {  	s0 =	stileid.u32;
	s4 =	rddreg [dreg:$0x1]  }
0x3: {  	s7 =	simm.s32 $0x80;
	s8 =	simm.s32 $0x880;
	s9 =	simm.s32 $0x1080  }
0x4: {  	s10 =	simm.s32 $0x1880;
	s11 =	simm.s32 $0x2080;
	s12 =	simm.s32 $0x2880  }
0x5: {  	s13 =	simm.s32 $0x3080;
	s14 =	simm.s32 $0x3880;
	s15 =	simm.s32 $0x4080  }
0x6: {  	s16 =	simm.s32 $0x4880;
	s17 =	simm.s32 $0x5080;
	s18 =	simm.s32 $0x5880  }
0x7: {  	s19 =	simm.s32 $0x6080;
	s20 =	simm.s32 $0x6880;
	s21 =	simm.s32 $0x7080  }
0x8: {  	s22 =	simm.s32 $0x7880;
	s23 =	simm.s32 $0x8080;
	s28 =	simm.s32 $0xA080  }
0x9: {  	s29 =	simm.s32 $0xA880;
	s1 =	sand.u32 $0x1, s1;
	s3 =	sshll.u32 s0, $0x1  }
0xa: {  	s30 =	simm.s32 $0xB080;
	s31 =	simm.s32 $0xB880;
	s5 =	sor.u32 s1, s3  }
0xb: {  	s3 =	simm.s32 $0x0;
	s1 =	ssub.s32 $0x2, s1;
	s6 =	smul.u32 $0xC, s5  }
0xc: {  	[smem:$0x7FF] =	sst s3;
	s5 =	smul.u32 $0x1800, s5;
	s25 =	sshrl.u32 s1, $0x1  }
0xd: {  	_ =	strace $0x8000004A;
	s1 =	ssub.s32 s1, s25;
	s25 =	simm.s32 $0x9080  }
0xe: {  	s6 =	sadd.s32 s6, s4;
	s4 =	sadd.s32 s5, s4;
	s5 =	smax.u32 s1, $0x1  }
0xf: {  	v2 =	vlaneseq.u32;
	s1 =	simm.s32 $0x1;
	s24 =	sadd.s32 $0x31400, s6;
	s26 =	sadd.s32 $0x31600, s4  }
0x10: {  	vm0 =	vmmov $0xffff;
	v1 =	vshrl.u32 v2, $0x3;
	s4 =	sadd.s32 $0x100, s2;
	s6 =	simm.s32 $0x2;
	[dreg:$0x3] =	wrdreg s24  }
0x11: {  	v0 =	vand.u32 $0x7, v2;
	v2 =	vor.u32 $0x8, v2;
	v1 =	vmul.u32 $0x8, v1;
	[dreg:$0x4] =	wrdreg s26;
	s24 =	simm.s32 $0x8880;
	s26 =	simm.s32 $0x9880  }
.LBB2_1:
0x12: {  	s0 =	rddreg [dreg:$0x3]  }
0x13: {  	[tilespmem:s3], [sflag:$0x2] =	stream.linear.gather [hbm4b:s0+s3], $0x60, $0x38;
	[tilespmem:$0xC080] =	vst v63  }
0x14: {  	_ =	swait.ge [sflag:s6], $0x60  }
0x15: {  	[sflag:s6] =	ssyncset.done $0x0  }
0x16: {  	[sflag:s6] =	ssyncadd.s32 $0xFFFFFFA0  }
0x17: {  	v3 =	vld [tilespmem:$0x0];
	_ =	sdelay $0x4  }
0x18: {  	v4 =	vshll.u32 v3, $0x2  }
0x19: {  	v3 =	vand.u32 $0x7, v3;
	v4 =	vand.u32 $0xFFFFFFE0, v4  }
0x1a: {  	v3 =	vor.u32 v3, v4  }
0x1b: {  	v4 =	vperm.xlane v3, v0;
	_ =	sdelay $0x1  }
0x1c: {  	v4 =	vadd.s32 v1, v4;
	_ =	sdelay $0x1  }
0x1d: {  	v3 =	vperm.xlane v3, v2;
	_ =	sdelay $0x1  }
0x1e: {  	v3 =	vadd.s32 v1, v3  }
0x1f: {  	[tilespmem:s7], [sflag:$0x1] =	stream.indirect_vreg.gather [hbm4b:s2+s3], $0x80, v4, vm0, $0xb8;
	[tilespmem:$0xC080] =	vst v63  }
0x20: {  	_ = 	snop  }
0x21: {  	[tilespmem:s8], [sflag:$0x1] =	stream.indirect_vreg.gather [hbm4b:s4+s3], $0x80, v4, vm0, $0xb8;
	[tilespmem:$0xC080] =	vst v63  }
0x22: {  	_ = 	snop  }
0x23: {  	[tilespmem:s9], [sflag:$0x1] =	stream.indirect_vreg.gather [hbm4b:s2+s3], $0x80, v3, vm0, $0xb8;
	[tilespmem:$0xC080] =	vst v63  }
0x24: {  	_ = 	snop  }
0x25: {  	[tilespmem:s10], [sflag:$0x1] =	stream.indirect_vreg.gather [hbm4b:s4+s3], $0x80, v3, vm0, $0xb8;
	[tilespmem:$0xC080] =	vst v63  }
0x26: {  	v3 =	vld [tilespmem:$0x10];
	_ =	sdelay $0x4  }
0x27: {  	v59 =	vshll.u32 v3, $0x2  }
0x28: {  	v3 =	vand.u32 $0x7, v3;
	v4 =	vand.u32 $0xFFFFFFE0, v59  }
0x29: {  	v3 =	vor.u32 v3, v4  }
0x2a: {  	v4 =	vperm.xlane v3, v0;
	_ =	sdelay $0x1  }
0x2b: {  	v4 =	vadd.s32 v1, v4;
	_ =	sdelay $0x1  }
0x2c: {  	v3 =	vperm.xlane v3, v2;
	_ =	sdelay $0x1  }
0x2d: {  	v3 =	vadd.s32 v1, v3  }
0x2e: {  	[tilespmem:s11], [sflag:$0x1] =	stream.indirect_vreg.gather [hbm4b:s2+s3], $0x80, v4, vm0, $0xb8;
	[tilespmem:$0xC080] =	vst v63  }
0x2f: {  	_ = 	snop  }
0x30: {  	[tilespmem:s12], [sflag:$0x1] =	stream.indirect_vreg.gather [hbm4b:s4+s3], $0x80, v4, vm0, $0xb8;
	[tilespmem:$0xC080] =	vst v63  }
0x31: {  	_ = 	snop  }
0x32: {  	[tilespmem:s13], [sflag:$0x1] =	stream.indirect_vreg.gather [hbm4b:s2+s3], $0x80, v3, vm0, $0xb8;
	[tilespmem:$0xC080] =	vst v63  }
0x33: {  	_ = 	snop  }
0x34: {  	[tilespmem:s14], [sflag:$0x1] =	stream.indirect_vreg.gather [hbm4b:s4+s3], $0x80, v3, vm0, $0xb8;
	[tilespmem:$0xC080] =	vst v63  }
0x35: {  	v3 =	vld [tilespmem:$0x20];
	_ =	sdelay $0x4  }
0x36: {  	v60 =	vshll.u32 v3, $0x2  }
0x37: {  	v3 =	vand.u32 $0x7, v3;
	v4 =	vand.u32 $0xFFFFFFE0, v60  }
0x38: {  	v3 =	vor.u32 v3, v4  }
0x39: {  	v4 =	vperm.xlane v3, v0;
	_ =	sdelay $0x1  }
0x3a: {  	v4 =	vadd.s32 v1, v4;
	_ =	sdelay $0x1  }
0x3b: {  	v3 =	vperm.xlane v3, v2;
	_ =	sdelay $0x1  }
0x3c: {  	v3 =	vadd.s32 v1, v3  }
0x3d: {  	[tilespmem:s15], [sflag:$0x1] =	stream.indirect_vreg.gather [hbm4b:s2+s3], $0x80, v4, vm0, $0xb8;
	[tilespmem:$0xC080] =	vst v63  }
0x3e: {  	_ = 	snop  }
0x3f: {  	[tilespmem:s16], [sflag:$0x1] =	stream.indirect_vreg.gather [hbm4b:s4+s3], $0x80, v4, vm0, $0xb8;
	[tilespmem:$0xC080] =	vst v63  }
0x40: {  	_ = 	snop  }
0x41: {  	[tilespmem:s17], [sflag:$0x1] =	stream.indirect_vreg.gather [hbm4b:s2+s3], $0x80, v3, vm0, $0xb8;
	[tilespmem:$0xC080] =	vst v63  }
0x42: {  	_ = 	snop  }
0x43: {  	[tilespmem:s18], [sflag:$0x1] =	stream.indirect_vreg.gather [hbm4b:s4+s3], $0x80, v3, vm0, $0xb8;
	[tilespmem:$0xC080] =	vst v63  }
0x44: {  	v3 =	vld [tilespmem:$0x30];
	_ =	sdelay $0x4  }
0x45: {  	v61 =	vshll.u32 v3, $0x2  }
0x46: {  	v3 =	vand.u32 $0x7, v3;
	v4 =	vand.u32 $0xFFFFFFE0, v61  }
0x47: {  	v3 =	vor.u32 v3, v4  }
0x48: {  	v4 =	vperm.xlane v3, v0;
	_ =	sdelay $0x1  }
0x49: {  	v4 =	vadd.s32 v1, v4;
	_ =	sdelay $0x1  }
0x4a: {  	v3 =	vperm.xlane v3, v2;
	_ =	sdelay $0x1  }
0x4b: {  	v3 =	vadd.s32 v1, v3  }
0x4c: {  	[tilespmem:s19], [sflag:$0x1] =	stream.indirect_vreg.gather [hbm4b:s2+s3], $0x80, v4, vm0, $0xb8;
	[tilespmem:$0xC080] =	vst v63  }
0x4d: {  	_ = 	snop  }
0x4e: {  	[tilespmem:s20], [sflag:$0x1] =	stream.indirect_vreg.gather [hbm4b:s4+s3], $0x80, v4, vm0, $0xb8;
	[tilespmem:$0xC080] =	vst v63  }
0x4f: {  	_ = 	snop  }
0x50: {  	[tilespmem:s21], [sflag:$0x1] =	stream.indirect_vreg.gather [hbm4b:s2+s3], $0x80, v3, vm0, $0xb8;
	[tilespmem:$0xC080] =	vst v63  }
0x51: {  	_ = 	snop  }
0x52: {  	[tilespmem:s22], [sflag:$0x1] =	stream.indirect_vreg.gather [hbm4b:s4+s3], $0x80, v3, vm0, $0xb8;
	[tilespmem:$0xC080] =	vst v63  }
0x53: {  	v3 =	vld [tilespmem:$0x40];
	_ =	sdelay $0x4  }
0x54: {  	v62 =	vshll.u32 v3, $0x2  }
0x55: {  	v3 =	vand.u32 $0x7, v3;
	v4 =	vand.u32 $0xFFFFFFE0, v62  }
0x56: {  	v3 =	vor.u32 v3, v4  }
0x57: {  	v4 =	vperm.xlane v3, v0;
	_ =	sdelay $0x1  }
0x58: {  	v4 =	vadd.s32 v1, v4;
	_ =	sdelay $0x1  }
0x59: {  	v3 =	vperm.xlane v3, v2;
	_ =	sdelay $0x1  }
0x5a: {  	v3 =	vadd.s32 v1, v3  }
0x5b: {  	[tilespmem:s23], [sflag:$0x1] =	stream.indirect_vreg.gather [hbm4b:s2+s3], $0x80, v4, vm0, $0xb8;
	[tilespmem:$0xC080] =	vst v63  }
0x5c: {  	_ = 	snop  }
0x5d: {  	[tilespmem:s24], [sflag:$0x1] =	stream.indirect_vreg.gather [hbm4b:s4+s3], $0x80, v4, vm0, $0xb8;
	[tilespmem:$0xC080] =	vst v63  }
0x5e: {  	_ = 	snop  }
0x5f: {  	[tilespmem:s25], [sflag:$0x1] =	stream.indirect_vreg.gather [hbm4b:s2+s3], $0x80, v3, vm0, $0xb8;
	[tilespmem:$0xC080] =	vst v63  }
0x60: {  	_ = 	snop  }
0x61: {  	[tilespmem:s26], [sflag:$0x1] =	stream.indirect_vreg.gather [hbm4b:s4+s3], $0x80, v3, vm0, $0xb8;
	[tilespmem:$0xC080] =	vst v63  }
0x62: {  	v3 =	vld [tilespmem:$0x50];
	_ =	sdelay $0x4  }
0x63: {  	v63 =	vshll.u32 v3, $0x2  }
0x64: {  	v3 =	vand.u32 $0x7, v3;
	v4 =	vand.u32 $0xFFFFFFE0, v63  }
0x65: {  	v3 =	vor.u32 v3, v4  }
0x66: {  	v4 =	vperm.xlane v3, v0;
	_ =	sdelay $0x1  }
0x67: {  	v4 =	vadd.s32 v1, v4;
	_ =	sdelay $0x1  }
0x68: {  	v3 =	vperm.xlane v3, v2;
	_ =	sdelay $0x1  }
0x69: {  	v3 =	vadd.s32 v1, v3  }
0x6a: {  	[tilespmem:s28], [sflag:$0x1] =	stream.indirect_vreg.gather [hbm4b:s2+s3], $0x80, v4, vm0, $0xb8;
	[tilespmem:$0xC080] =	vst v63  }
0x6b: {  	_ = 	snop  }
0x6c: {  	[tilespmem:s29], [sflag:$0x1] =	stream.indirect_vreg.gather [hbm4b:s4+s3], $0x80, v4, vm0, $0xb8;
	[tilespmem:$0xC080] =	vst v63  }
0x6d: {  	_ = 	snop  }
0x6e: {  	[tilespmem:s30], [sflag:$0x1] =	stream.indirect_vreg.gather [hbm4b:s2+s3], $0x80, v3, vm0, $0xb8;
	[tilespmem:$0xC080] =	vst v63  }
0x6f: {  	_ = 	snop  }
0x70: {  	[tilespmem:s31], [sflag:$0x1] =	stream.indirect_vreg.gather [hbm4b:s4+s3], $0x80, v3, vm0, $0xb8;
	[tilespmem:$0xC080] =	vst v63  }
0x71: {  	_ =	swait.ge [sflag:s1], $0xC000  }
0x72: {  	p0 =	sne.s32 s5, $0x1;
	[sflag:s1] =	ssyncset.done $0x0  }
.Ltmp0:
0x73: {  	s0 =	rddreg [dreg:$0x4];
	[sflag:s1] =	ssyncadd.s32 $0xFFFF4000;
	(pc) =	sbr.rel @p0 .LBB2_1-.Ltmp0, $4  }
0x74: {  	[hbm4b:s0+s3] =	stream.linear.scatter [tilespmem:s7], [sflag:$0x2], $0xC000, $0x38;
	[tilespmem:$0xC080] =	vst v63  }
0x75: {  	_ =	swait.ge [sflag:s6], $0xC000  }
0x76: {  	[sflag:s6] =	ssyncset.done $0x0  }
0x77: {  	s5 =	sadd.s32 $0xFFFFFFFF, s5;
	[sflag:s6] =	ssyncadd.s32 $0xFFFF4000  }
0x78: {  	_ =	sfence.sel $0x180000  }
0x79: {  	[bflag:$0x0] =	sbarrier.arrive $0xFFFF  }
0x7a: {  	_ =	strace $0x9000004A  }
0x7b: {  	s0 =	stileid.u32;
	[bflag:$0x2] =	sbarrier.arrive $0xFFFF  }
0x7c: {  	p0 =	sne.s32 s0, $0x0;
	s0 =	rddreg [dreg:$0x2]  }
0x7d: {  	s0 =	sadd.s32 @!p0 $0x100000, s0  }
0x7e: {  	[sflag:s0] =	ssyncadd.tile.s32 @!p0 $0x1;
	_ =	shalt  }
.Lfunc_end2:
_tile_overlayer_lowered:
.L_overlay_start_2:
0x7f: {  	(tag) =	ssettag $0x2  }
0x80: {  	s0 =	rddreg [dreg:$0x0];
	s2 =	stileid.u32  }
0x81: {  	s1 =	rddreg [dreg:$0x1];
	p0 =	sne.s32 s2, $0x0  }
0x82: {  	s3 =	rddreg [dreg:$0x2];
	[bflag:$0x3] =	sbarrier.arrive $0xFFFF;
	s2 =	simm.s32 @!p0 $0x1C02  }
0x83: {  	[timem:s3], [sflag:s2] =	dma.local @!p0 [hbm:s0], s1  }
0x84: {  	s0 =	simm.s32 @!p0 $0x2  }
0x85: {  	_ =	swait.ge @!p0 [sflag:s0], s1  }
0x86: {  	s1 =	ssub.s32 @!p0 $0x0, s1;
	[sflag:s0] =	ssyncset.done @!p0 $0x0  }
0x87: {  	[sflag:s0] =	ssyncadd.s32 @!p0 s1  }
0x88: {  	[bflag:$0x3] =	sbarrier.arrive $0xFFFF  }
0x89: {  	_ =	shalt  }

// kernel: kernel.14.cloned.1.call-start
scs
__scs_entry_jumppad:
0x0: {  	(pc) =	sbr.rel $0x88, $3  }
0x1: {  	(tag) =	ssettag $0x0;
	lr =	simm.s32 $0x1  }
0x2: {  	[smem:$0x3F9F] =	sst lr;
	_ =	strace $0xD0000000  }
0x3: {  	_ = 	snop  }
0x4: {  	_ = 	snop  }
0x5: {  	_ = 	snop  }
0x6: {  	_ = 	snop  }
0x7: {  	_ = 	snop  }
__scs_overlays_trampoline_lowered:
0x8: {  	[smem:$0x3FAE] =	sst s0  }
0x9: {  	[smem:$0x3FAF] =	sst s1  }
0xa: {  	[smem:$0x3FB0] =	sst s2  }
0xb: {  	[smem:$0x3FB1] =	sst s3  }
0xc: {  	[smem:$0x3FB2] =	sst s4  }
0xd: {  	[smem:$0x3FB3] =	sst s5  }
0xe: {  	[smem:$0x3FB4] =	sst s6  }
0xf: {  	[smem:$0x3FB5] =	sst s7  }
0x10: {  	[smem:$0x3FB6] =	sst s8  }
0x11: {  	[smem:$0x3FB7] =	sst s9;
	s0 =	simm.s32 @!p0 $0x0  }
0x12: {  	s1 =	sld [smem:$0x3F9D];
	s0 =	simm.s32 @p0 $0x1  }
0x13: {  	[smem:$0x3FB8] =	sst s0;
	s0 =	simm.s32 @!p1 $0x0  }
0x14: {  	s2 =	sld [smem:$0x3F9C];
	s0 =	simm.s32 @p1 $0x1  }
0x15: {  	[smem:$0x3FB9] =	sst s0;
	s0 =	simm.s32 @!p2 $0x0  }
0x16: {  	s3 =	sld [smem:$0x3FDB];
	s0 =	simm.s32 @p2 $0x1  }
0x17: {  	s4 =	simm.s32 $0x1BF5;
	[smem:$0x3FBB] =	sst s0  }
0x18: {  	s0 =	sld [smem:$0x3F9E];
	_ =	swait.ge [sflag:s4], $0x0  }
0x19: {  	s7 =	sld [smem:$0x3F9F]  }
0x1a: {  	s8 =	sadd.s32 $0xFFFFE003, lr  }
0x1b: {  	s9 =	sadd.s32 $0xFFFFFEF7, lr;
	s5 =	simm.s32 $0xFFFFFFFF;
	p2 =	slt.u32 s8, $0xFFFFF086  }
0x1c: {  	p1 =	slt.u32 s9, $0xF7A;
	s5 =	simm.s32 @!p2 $0x0  }
0x1d: {  	s5 =	simm.s32 @p1 $0x1;
	p0 =	seq.s32 s7, s2  }
0x1e: {  	s7 =	smul.u32 @!p0 $0xF7A, s2;
	p2 =	seq.s32 @!p0 s5, $0x0  }
0x1f: {  	s9 =	smul.u32 $0xF7A, s1;
	s8 =	simm.s32 @!p0 $0x1BF5;
	p2 =	por !p2, p0  }
0x20: {  	[sflag:s8] =	ssyncset.s32 @!p0 $0xFFFFF086;
	s6 =	sadd.s32 @!p0 s3, s7;
	s7 =	simm.s32 @!p0 $0x108  }
0x21: {  	s3 =	sadd.s32 s3, s9;
	s6 =	sadd.s32 @!p0 $0x88, s6;
	s7 =	simm.s32 @p2 $0x1082  }
0x22: {  	[simem:s7], [sflag:s8] =	dma.local @!p0 [hbm:s6], $0xF7A  }
0x23: {  	s9 =	sor.u32 $0xD0000000, s2;
	s6 =	simm.s32 $0x108;
	_ =	swait.ge @!p0 [sflag:s8], $0x0  }
0x24: {  	s3 =	sadd.s32 $0x88, s3;
	s6 =	simm.s32 @!p1 $0x1082;
	[sflag:s4] =	ssyncset.s32 $0xFFFFF086  }
0x25: {  	[simem:s6], [sflag:s4] =	dma.local [hbm:s3], $0xF7A  }
0x26: {  	[smem:$0x3F9F] =	sst s1;
	(tag) =	ssettag s2;
	_ =	strace s9  }
0x27: {  	s1 =	sld [smem:$0x3FAF]  }
0x28: {  	s2 =	sld [smem:$0x3FB0]  }
0x29: {  	s4 =	sld [smem:$0x3FB2]  }
0x2a: {  	p0 =	seq.s32 s5, $0x0;
	s5 =	sld [smem:$0x3FB3]  }
0x2b: {  	s6 =	sld [smem:$0x3FB4]  }
0x2c: {  	s7 =	sld [smem:$0x3FB5]  }
0x2d: {  	s3 =	simm.s32 $0x108;
	s8 =	sld [smem:$0x3FB6]  }
0x2e: {  	s3 =	simm.s32 @!p0 $0x1082;
	s9 =	sld [smem:$0x3FB7]  }
0x2f: {  	lr =	sadd.s32 s0, s3;
	s0 =	sld [smem:$0x3FAE]  }
0x30: {  	s3 =	sld [smem:$0x3FB1]  }
0x31: {  	[smem:$0x3FBA] =	sst s10  }
0x32: {  	s10 =	sld [smem:$0x3FB8];
	_ =	sdelay $0x3  }
0x33: {  	p0 =	seq.s32 s10, $0x1;
	s10 =	sld [smem:$0x3FBA];
	_ =	sdelay $0x3  }
0x34: {  	[smem:$0x3FBA] =	sst s10  }
0x35: {  	s10 =	sld [smem:$0x3FB9];
	_ =	sdelay $0x3  }
0x36: {  	p1 =	seq.s32 s10, $0x1;
	s10 =	sld [smem:$0x3FBA];
	_ =	sdelay $0x3  }
0x37: {  	[smem:$0x3FBA] =	sst s10  }
0x38: {  	s10 =	sld [smem:$0x3FBB]  }
0x39: {  	_ = 	snop;
	(pc) =	sbr.ind lr, $3  }
0x3a: {  	_ = 	snop  }
0x3b: {  	_ = 	snop  }
0x3c: {  	p2 =	seq.s32 s10, $0x1;
	s10 =	sld [smem:$0x3FBA]  }
0x3d: {  	_ =	shalt  }
0x3e: {  	_ =	shalt  }
0x3f: {  	_ =	shalt  }
0x40: {  	_ =	shalt  }
0x41: {  	_ =	shalt  }
0x42: {  	_ =	shalt  }
0x43: {  	_ =	shalt  }
0x44: {  	_ =	shalt  }
0x45: {  	_ =	shalt  }
0x46: {  	_ =	shalt  }
0x47: {  	_ =	shalt  }
0x48: {  	_ =	shalt  }
0x49: {  	_ =	shalt  }
0x4a: {  	_ =	shalt  }
0x4b: {  	_ =	shalt  }
0x4c: {  	_ =	shalt  }
0x4d: {  	_ =	shalt  }
0x4e: {  	_ =	shalt  }
0x4f: {  	_ =	shalt  }
0x50: {  	_ =	shalt  }
0x51: {  	_ =	shalt  }
0x52: {  	_ =	shalt  }
0x53: {  	_ =	shalt  }
0x54: {  	_ =	shalt  }
0x55: {  	_ =	shalt  }
0x56: {  	_ =	shalt  }
0x57: {  	_ =	shalt  }
0x58: {  	_ =	shalt  }
0x59: {  	_ =	shalt  }
0x5a: {  	_ =	shalt  }
0x5b: {  	_ =	shalt  }
0x5c: {  	_ =	shalt  }
0x5d: {  	_ =	shalt  }
0x5e: {  	_ =	shalt  }
0x5f: {  	_ =	shalt  }
0x60: {  	_ =	shalt  }
0x61: {  	_ =	shalt  }
0x62: {  	_ =	shalt  }
0x63: {  	_ =	shalt  }
0x64: {  	_ =	shalt  }
0x65: {  	_ =	shalt  }
0x66: {  	_ =	shalt  }
0x67: {  	_ =	shalt  }
0x68: {  	_ =	shalt  }
0x69: {  	_ =	shalt  }
0x6a: {  	_ =	shalt  }
0x6b: {  	_ =	shalt  }
0x6c: {  	_ =	shalt  }
0x6d: {  	_ =	shalt  }
0x6e: {  	_ =	shalt  }
0x6f: {  	_ =	shalt  }
0x70: {  	_ =	shalt  }
0x71: {  	_ =	shalt  }
0x72: {  	_ =	shalt  }
0x73: {  	_ =	shalt  }
0x74: {  	_ =	shalt  }
0x75: {  	_ =	shalt  }
0x76: {  	_ =	shalt  }
0x77: {  	_ =	shalt  }
0x78: {  	_ =	shalt  }
0x79: {  	_ =	shalt  }
0x7a: {  	_ =	shalt  }
0x7b: {  	_ =	shalt  }
0x7c: {  	_ =	shalt  }
0x7d: {  	_ =	shalt  }
0x7e: {  	_ =	shalt  }
0x7f: {  	_ =	shalt  }
0x80: {  	_ =	shalt  }
0x81: {  	_ =	shalt  }
0x82: {  	_ =	shalt  }
0x83: {  	_ =	shalt  }
0x84: {  	_ =	shalt  }
0x85: {  	_ =	shalt  }
0x86: {  	_ =	shalt  }
0x87: {  	_ =	shalt  }
.Lfunc_end0:
.L_simem_size_0:
called_computation.2_lowered:
.L_overlay_start_0:
0x88: {  	s2 =	sld [smem:$0x3FD9]  }
0x89: {  	s3 =	sld [smem:$0x3FFE];
	_ =	sdelay $0x1  }
0x8a: {  	s1 =	srdreg.scid  }
0x8b: {  	s0 =	sand.u32 $0x1, s1  }
0x8c: {  	s17 =	sshll.u32 s0, $0xA;
	s2 =	sadd.s32 s3, s2  }
0x8d: {  	s2 =	sadd.s32 s2, s17  }
0x8e: {  	[smem:$0x3FC6] =	sst s2  }
0x8f: {  	_ = 	snop  }
0x90: {  	s2 =	sld [smem:$0x3FC8]  }
0x91: {  	s18 =	sld [smem:$0x3FD0];
	(tm) =	ssettm $0x1  }
0x92: {  	s4 =	sld [smem:$0x3FFB];
	_ =	sdelay $0x3  }
0x93: {  	_ =	strace s4  }
0x94: {  	s4 =	sld [smem:$0x3FFC];
	_ =	sdelay $0x3  }
0x95: {  	_ =	strace s4  }
0x96: {  	s4 =	sld [smem:$0x3FFD];
	_ =	sdelay $0x3  }
0x97: {  	_ =	strace s4  }
0x98: {  	_ =	strace $0x8FFFFFFF  }
0x99: {  	s19 =	sld [smem:$0x3FDB];
	_ =	sdelay $0x1  }
0x9a: {  	s5 =	simm.s32 $_scs_section_size  }
0x9b: {  	s6 =	simm.s32 $_size__tile_overlayer_lowered;
	s7 =	simm.s32 $_tile_overlayer_lowered  }
0x9c: {  	s22 =	simm.s32 $0x1BFF;
	s21 =	sshll.u32 s7, $0x1;
	s4 =	sadd.s32 s5, s19  }
0x9d: {  	s8 =	simm.s32 $0x0;
	s20 =	sshll.u32 s6, $0x1;
	s6 =	sadd.s32 s21, s4  }
0x9e: {  	[timem:s8], [sflag:s22] =	dma.local [hbm:s6], s20  }
0x9f: {  	_ =	swait.ge [sflag:s22], s20  }
0xa0: {  	s5 =	ssub.s32 $0x0, s20;
	[sflag:s22] =	ssyncset.done $0x0  }
0xa1: {  	[sflag:s22] =	ssyncadd.s32 s5;
	_ =	sdelay $0x1  }
0xa2: {  	s23 =	simm.s32 $0x1B8B  }
0xa3: {  	_ =	swait.ge [sflag:s23], $0x1  }
0xa4: {  	[sflag:s23] =	ssyncset.done $0x0  }
0xa5: {  	s25 =	simm.s32 $0x1B8E;
	s24 =	sld [smem:$0x3FFE];
	[sflag:s23] =	ssyncadd.s32 $0xFFFFFFFF  }
0xa6: {  	s26 =	simm.s32 $execute0_lowered;
	[smem:$0x3FD2] =	sst s25  }
0xa7: {  	s6 =	sshll.u32 s26, $0x1;
	_ =	strace $0x80000046;
	[dreg:$0x1] =	wrdreg $0xFFFFFFFF  }
0xa8: {  	s28 =	simm.s32 $_size_execute0_lowered;
	s4 =	sadd.s32 s4, s6;
	[dreg:$0x0] =	wrdreg $0x0  }
0xa9: {  	s6 =	sshll.u32 s28, $0x1;
	[dreg:$0x2] =	wrdreg s4  }
0xaa: {  	[dreg:$0x3] =	wrdreg s6  }
0xab: {  	[dreg:$0x4] =	wrdreg $0xC0  }
0xac: {  	_ =	task [dreg:s8], $0x5FFFF  }
0xad: {  	[dreg:$0x1] =	wrdreg $0xFFFFFFFF  }
0xae: {  	[dreg:$0x0] =	wrdreg $0x60  }
0xaf: {  	[dreg:$0x2] =	wrdreg s2  }
0xb0: {  	[dreg:$0x3] =	wrdreg s18  }
0xb1: {  	[dreg:$0x4] =	wrdreg s24  }
0xb2: {  	[dreg:$0x5] =	wrdreg $0xB  }
0xb3: {  	_ =	task.clear_ibuf [dreg:s8], $0x6FFFF;
	_ =	strace $0x90000046  }
0xb4: {  	s29 =	simm.s32 $0xB;
	_ =	strace $0x80000048  }
0xb5: {  	_ =	swait.ge [sflag:s29], $0x1  }
0xb6: {  	[sflag:s29] =	ssyncadd.s32 $0xFFFFFFFF  }
0xb7: {  	_ =	strace $0x90000048  }
0xb8: {  	_ =	sfence  }
0xb9: {  	s30 =	sld [smem:$0x0];
	_ =	sdelay $0x2  }
0xba: {  	s31 =	sshll.u32 s1, $0xD;
	s1 =	sshrl.u32 s1, $0x2  }
0xbb: {  	s3 =	sand.u32 $0x4000, s31;
	s1 =	sadd.s32 s1, s30  }
0xbc: {  	s0 =	sor.u32 s3, s0;
	s1 =	sshll.u32 s1, $0x11  }
0xbd: {  	s0 =	sor.u32 s1, s0  }
0xbe: {  	s0 =	sadd.s32 $0x8F2B, s0  }
0xbf: {  	[sflag:s0] =	ssyncadd.remote.s32 $0x1  }
0xc0: {  	_ =	sfence.sel $0xFFFF  }
0xc1: {  	[dreg:$0x0] =	wrdreg $0xFFFFFFFF;
	(pc) =	sbr.abs _section_cstart, $3  }
0xc2: {  	[dreg:$0x1] =	wrdreg $0xFFFFFFFF  }
0xc3: {  	_ =	task.clear_ibuf [dreg:s8], $0x2FFFF;
	_ =	strace $0x9FFFFFFF  }
0xc4: {  	(tm) =	ssettm $0x7FFFFFFF  }
0xc5: {  	_ =	shalt  }
tec
execute0_lowered:
.L_overlay_start_1:
0x0: {  	(tag) =	ssettag $0x1  }
0x1: {  	s1 =	rddreg [dreg:$0x0];
	s2 =	srdreg.scid  }
0x2: {  	s0 =	stileid.u32;
	s4 =	rddreg [dreg:$0x1]  }
0x3: {  	s5 =	rddreg [dreg:$0x2];
	s8 =	simm.s32 $0x880;
	s9 =	simm.s32 $0x1080  }
0x4: {  	s10 =	simm.s32 $0x1880;
	s11 =	simm.s32 $0x2080;
	s12 =	simm.s32 $0x2880  }
0x5: {  	s13 =	simm.s32 $0x3080;
	s14 =	simm.s32 $0x3880;
	s15 =	simm.s32 $0x4080  }
0x6: {  	s16 =	simm.s32 $0x4880;
	s17 =	simm.s32 $0x5080;
	s18 =	simm.s32 $0x5880  }
0x7: {  	s19 =	simm.s32 $0x6080;
	s20 =	simm.s32 $0x6880;
	s21 =	simm.s32 $0x7080  }
0x8: {  	s22 =	simm.s32 $0x7880;
	s23 =	simm.s32 $0x8080;
	s24 =	simm.s32 $0x8880  }
0x9: {  	s25 =	simm.s32 $0x9080;
	s28 =	simm.s32 $0xA080;
	s29 =	simm.s32 $0xA880  }
0xa: {  	s30 =	simm.s32 $0xB080;
	s2 =	sand.u32 $0x1, s2;
	s3 =	sshll.u32 s0, $0x1  }
0xb: {  	s31 =	simm.s32 $0xB880;
	s6 =	sor.u32 s2, s3;
	s3 =	simm.s32 $0x0  }
0xc: {  	s2 =	ssub.s32 $0x2, s2;
	s7 =	smul.u32 $0x1800, s6;
	[smem:$0x7FF] =	sst s3  }
0xd: {  	s6 =	smul.u32 $0xC, s6;
	s26 =	sshrl.u32 s2, $0x1;
	_ =	strace $0x80000047  }
0xe: {  	s2 =	ssub.s32 s2, s26;
	s26 =	simm.s32 $0x9880;
	s5 =	sadd.s32 s7, s5  }
0xf: {  	v2 =	vlaneseq.u32;
	s4 =	sadd.s32 s4, s6;
	s6 =	simm.s32 $0x2;
	s7 =	simm.s32 $0x80  }
0x10: {  	vm0 =	vmmov $0xffff;
	v1 =	vshrl.u32 v2, $0x3;
	[dreg:$0x4] =	wrdreg s4;
	s5 =	sadd.s32 $0x1400, s5;
	s4 =	sadd.s32 $0x100, s1  }
0x11: {  	v0 =	vand.u32 $0x7, v2;
	v2 =	vor.u32 $0x8, v2;
	v1 =	vmul.u32 $0x8, v1;
	[dreg:$0x5] =	wrdreg s5;
	s5 =	smax.u32 s2, $0x1;
	s2 =	simm.s32 $0x1  }
.LBB2_1:
0x12: {  	s0 =	rddreg [dreg:$0x4]  }
0x13: {  	[tilespmem:s3], [sflag:$0x2] =	stream.linear.gather [hbm4b:s0+s3], $0x60, $0x38;
	[tilespmem:$0xC080] =	vst v63  }
0x14: {  	_ =	swait.ge [sflag:s6], $0x60  }
0x15: {  	[sflag:s6] =	ssyncset.done $0x0  }
0x16: {  	[sflag:s6] =	ssyncadd.s32 $0xFFFFFFA0  }
0x17: {  	v3 =	vld [tilespmem:$0x0];
	_ =	sdelay $0x4  }
0x18: {  	v4 =	vshll.u32 v3, $0x2  }
0x19: {  	v3 =	vand.u32 $0x7, v3;
	v4 =	vand.u32 $0xFFFFFFE0, v4  }
0x1a: {  	v3 =	vor.u32 v3, v4  }
0x1b: {  	v4 =	vperm.xlane v3, v0;
	_ =	sdelay $0x1  }
0x1c: {  	v4 =	vadd.s32 v1, v4;
	_ =	sdelay $0x1  }
0x1d: {  	v3 =	vperm.xlane v3, v2;
	_ =	sdelay $0x1  }
0x1e: {  	v3 =	vadd.s32 v1, v3  }
0x1f: {  	[tilespmem:s7], [sflag:$0x1] =	stream.indirect_vreg.gather [hbm4b:s1+s3], $0x80, v4, vm0, $0xb8;
	[tilespmem:$0xC080] =	vst v63  }
0x20: {  	_ = 	snop  }
0x21: {  	[tilespmem:s8], [sflag:$0x1] =	stream.indirect_vreg.gather [hbm4b:s4+s3], $0x80, v4, vm0, $0xb8;
	[tilespmem:$0xC080] =	vst v63  }
0x22: {  	_ = 	snop  }
0x23: {  	[tilespmem:s9], [sflag:$0x1] =	stream.indirect_vreg.gather [hbm4b:s1+s3], $0x80, v3, vm0, $0xb8;
	[tilespmem:$0xC080] =	vst v63  }
0x24: {  	_ = 	snop  }
0x25: {  	[tilespmem:s10], [sflag:$0x1] =	stream.indirect_vreg.gather [hbm4b:s4+s3], $0x80, v3, vm0, $0xb8;
	[tilespmem:$0xC080] =	vst v63  }
0x26: {  	v3 =	vld [tilespmem:$0x10];
	_ =	sdelay $0x4  }
0x27: {  	v59 =	vshll.u32 v3, $0x2  }
0x28: {  	v3 =	vand.u32 $0x7, v3;
	v4 =	vand.u32 $0xFFFFFFE0, v59  }
0x29: {  	v3 =	vor.u32 v3, v4  }
0x2a: {  	v4 =	vperm.xlane v3, v0;
	_ =	sdelay $0x1  }
0x2b: {  	v4 =	vadd.s32 v1, v4;
	_ =	sdelay $0x1  }
0x2c: {  	v3 =	vperm.xlane v3, v2;
	_ =	sdelay $0x1  }
0x2d: {  	v3 =	vadd.s32 v1, v3  }
0x2e: {  	[tilespmem:s11], [sflag:$0x1] =	stream.indirect_vreg.gather [hbm4b:s1+s3], $0x80, v4, vm0, $0xb8;
	[tilespmem:$0xC080] =	vst v63  }
0x2f: {  	_ = 	snop  }
0x30: {  	[tilespmem:s12], [sflag:$0x1] =	stream.indirect_vreg.gather [hbm4b:s4+s3], $0x80, v4, vm0, $0xb8;
	[tilespmem:$0xC080] =	vst v63  }
0x31: {  	_ = 	snop  }
0x32: {  	[tilespmem:s13], [sflag:$0x1] =	stream.indirect_vreg.gather [hbm4b:s1+s3], $0x80, v3, vm0, $0xb8;
	[tilespmem:$0xC080] =	vst v63  }
0x33: {  	_ = 	snop  }
0x34: {  	[tilespmem:s14], [sflag:$0x1] =	stream.indirect_vreg.gather [hbm4b:s4+s3], $0x80, v3, vm0, $0xb8;
	[tilespmem:$0xC080] =	vst v63  }
0x35: {  	v3 =	vld [tilespmem:$0x20];
	_ =	sdelay $0x4  }
0x36: {  	v60 =	vshll.u32 v3, $0x2  }
0x37: {  	v3 =	vand.u32 $0x7, v3;
	v4 =	vand.u32 $0xFFFFFFE0, v60  }
0x38: {  	v3 =	vor.u32 v3, v4  }
0x39: {  	v4 =	vperm.xlane v3, v0;
	_ =	sdelay $0x1  }
0x3a: {  	v4 =	vadd.s32 v1, v4;
	_ =	sdelay $0x1  }
0x3b: {  	v3 =	vperm.xlane v3, v2;
	_ =	sdelay $0x1  }
0x3c: {  	v3 =	vadd.s32 v1, v3  }
0x3d: {  	[tilespmem:s15], [sflag:$0x1] =	stream.indirect_vreg.gather [hbm4b:s1+s3], $0x80, v4, vm0, $0xb8;
	[tilespmem:$0xC080] =	vst v63  }
0x3e: {  	_ = 	snop  }
0x3f: {  	[tilespmem:s16], [sflag:$0x1] =	stream.indirect_vreg.gather [hbm4b:s4+s3], $0x80, v4, vm0, $0xb8;
	[tilespmem:$0xC080] =	vst v63  }
0x40: {  	_ = 	snop  }
0x41: {  	[tilespmem:s17], [sflag:$0x1] =	stream.indirect_vreg.gather [hbm4b:s1+s3], $0x80, v3, vm0, $0xb8;
	[tilespmem:$0xC080] =	vst v63  }
0x42: {  	_ = 	snop  }
0x43: {  	[tilespmem:s18], [sflag:$0x1] =	stream.indirect_vreg.gather [hbm4b:s4+s3], $0x80, v3, vm0, $0xb8;
	[tilespmem:$0xC080] =	vst v63  }
0x44: {  	v3 =	vld [tilespmem:$0x30];
	_ =	sdelay $0x4  }
0x45: {  	v61 =	vshll.u32 v3, $0x2  }
0x46: {  	v3 =	vand.u32 $0x7, v3;
	v4 =	vand.u32 $0xFFFFFFE0, v61  }
0x47: {  	v3 =	vor.u32 v3, v4  }
0x48: {  	v4 =	vperm.xlane v3, v0;
	_ =	sdelay $0x1  }
0x49: {  	v4 =	vadd.s32 v1, v4;
	_ =	sdelay $0x1  }
0x4a: {  	v3 =	vperm.xlane v3, v2;
	_ =	sdelay $0x1  }
0x4b: {  	v3 =	vadd.s32 v1, v3  }
0x4c: {  	[tilespmem:s19], [sflag:$0x1] =	stream.indirect_vreg.gather [hbm4b:s1+s3], $0x80, v4, vm0, $0xb8;
	[tilespmem:$0xC080] =	vst v63  }
0x4d: {  	_ = 	snop  }
0x4e: {  	[tilespmem:s20], [sflag:$0x1] =	stream.indirect_vreg.gather [hbm4b:s4+s3], $0x80, v4, vm0, $0xb8;
	[tilespmem:$0xC080] =	vst v63  }
0x4f: {  	_ = 	snop  }
0x50: {  	[tilespmem:s21], [sflag:$0x1] =	stream.indirect_vreg.gather [hbm4b:s1+s3], $0x80, v3, vm0, $0xb8;
	[tilespmem:$0xC080] =	vst v63  }
0x51: {  	_ = 	snop  }
0x52: {  	[tilespmem:s22], [sflag:$0x1] =	stream.indirect_vreg.gather [hbm4b:s4+s3], $0x80, v3, vm0, $0xb8;
	[tilespmem:$0xC080] =	vst v63  }
0x53: {  	v3 =	vld [tilespmem:$0x40];
	_ =	sdelay $0x4  }
0x54: {  	v62 =	vshll.u32 v3, $0x2  }
0x55: {  	v3 =	vand.u32 $0x7, v3;
	v4 =	vand.u32 $0xFFFFFFE0, v62  }
0x56: {  	v3 =	vor.u32 v3, v4  }
0x57: {  	v4 =	vperm.xlane v3, v0;
	_ =	sdelay $0x1  }
0x58: {  	v4 =	vadd.s32 v1, v4;
	_ =	sdelay $0x1  }
0x59: {  	v3 =	vperm.xlane v3, v2;
	_ =	sdelay $0x1  }
0x5a: {  	v3 =	vadd.s32 v1, v3  }
0x5b: {  	[tilespmem:s23], [sflag:$0x1] =	stream.indirect_vreg.gather [hbm4b:s1+s3], $0x80, v4, vm0, $0xb8;
	[tilespmem:$0xC080] =	vst v63  }
0x5c: {  	_ = 	snop  }
0x5d: {  	[tilespmem:s24], [sflag:$0x1] =	stream.indirect_vreg.gather [hbm4b:s4+s3], $0x80, v4, vm0, $0xb8;
	[tilespmem:$0xC080] =	vst v63  }
0x5e: {  	_ = 	snop  }
0x5f: {  	[tilespmem:s25], [sflag:$0x1] =	stream.indirect_vreg.gather [hbm4b:s1+s3], $0x80, v3, vm0, $0xb8;
	[tilespmem:$0xC080] =	vst v63  }
0x60: {  	_ = 	snop  }
0x61: {  	[tilespmem:s26], [sflag:$0x1] =	stream.indirect_vreg.gather [hbm4b:s4+s3], $0x80, v3, vm0, $0xb8;
	[tilespmem:$0xC080] =	vst v63  }
0x62: {  	v3 =	vld [tilespmem:$0x50];
	_ =	sdelay $0x4  }
0x63: {  	v63 =	vshll.u32 v3, $0x2  }
0x64: {  	v3 =	vand.u32 $0x7, v3;
	v4 =	vand.u32 $0xFFFFFFE0, v63  }
0x65: {  	v3 =	vor.u32 v3, v4  }
0x66: {  	v4 =	vperm.xlane v3, v0;
	_ =	sdelay $0x1  }
0x67: {  	v4 =	vadd.s32 v1, v4;
	_ =	sdelay $0x1  }
0x68: {  	v3 =	vperm.xlane v3, v2;
	_ =	sdelay $0x1  }
0x69: {  	v3 =	vadd.s32 v1, v3  }
0x6a: {  	[tilespmem:s28], [sflag:$0x1] =	stream.indirect_vreg.gather [hbm4b:s1+s3], $0x80, v4, vm0, $0xb8;
	[tilespmem:$0xC080] =	vst v63  }
0x6b: {  	_ = 	snop  }
0x6c: {  	[tilespmem:s29], [sflag:$0x1] =	stream.indirect_vreg.gather [hbm4b:s4+s3], $0x80, v4, vm0, $0xb8;
	[tilespmem:$0xC080] =	vst v63  }
0x6d: {  	_ = 	snop  }
0x6e: {  	[tilespmem:s30], [sflag:$0x1] =	stream.indirect_vreg.gather [hbm4b:s1+s3], $0x80, v3, vm0, $0xb8;
	[tilespmem:$0xC080] =	vst v63  }
0x6f: {  	_ = 	snop  }
0x70: {  	[tilespmem:s31], [sflag:$0x1] =	stream.indirect_vreg.gather [hbm4b:s4+s3], $0x80, v3, vm0, $0xb8;
	[tilespmem:$0xC080] =	vst v63  }
0x71: {  	_ =	swait.ge [sflag:s2], $0xC000  }
0x72: {  	p0 =	sne.s32 s5, $0x1;
	[sflag:s2] =	ssyncset.done $0x0  }
.Ltmp0:
0x73: {  	s0 =	rddreg [dreg:$0x5];
	[sflag:s2] =	ssyncadd.s32 $0xFFFF4000;
	(pc) =	sbr.rel @p0 .LBB2_1-.Ltmp0, $4  }
0x74: {  	[hbm4b:s0+s3] =	stream.linear.scatter [tilespmem:s7], [sflag:$0x2], $0xC000, $0x38;
	[tilespmem:$0xC080] =	vst v63  }
0x75: {  	_ =	swait.ge [sflag:s6], $0xC000  }
0x76: {  	[sflag:s6] =	ssyncset.done $0x0  }
0x77: {  	s5 =	sadd.s32 $0xFFFFFFFF, s5;
	[sflag:s6] =	ssyncadd.s32 $0xFFFF4000  }
0x78: {  	_ =	sfence.sel $0x180000  }
0x79: {  	[bflag:$0x0] =	sbarrier.arrive $0xFFFF  }
0x7a: {  	_ =	strace $0x90000047  }
0x7b: {  	s0 =	stileid.u32;
	[bflag:$0x2] =	sbarrier.arrive $0xFFFF  }
0x7c: {  	p0 =	sne.s32 s0, $0x0;
	s0 =	rddreg [dreg:$0x3]  }
0x7d: {  	s0 =	sadd.s32 @!p0 $0x100000, s0  }
0x7e: {  	[sflag:s0] =	ssyncadd.tile.s32 @!p0 $0x1;
	_ =	shalt  }
.Lfunc_end2:
_tile_overlayer_lowered:
.L_overlay_start_2:
0x7f: {  	(tag) =	ssettag $0x2  }
0x80: {  	s0 =	rddreg [dreg:$0x0];
	s2 =	stileid.u32  }
0x81: {  	s1 =	rddreg [dreg:$0x1];
	p0 =	sne.s32 s2, $0x0  }
0x82: {  	s3 =	rddreg [dreg:$0x2];
	[bflag:$0x3] =	sbarrier.arrive $0xFFFF;
	s2 =	simm.s32 @!p0 $0x1C02  }
0x83: {  	[timem:s3], [sflag:s2] =	dma.local @!p0 [hbm:s0], s1  }
0x84: {  	s0 =	simm.s32 @!p0 $0x2  }
0x85: {  	_ =	swait.ge @!p0 [sflag:s0], s1  }
0x86: {  	s1 =	ssub.s32 @!p0 $0x0, s1;
	[sflag:s0] =	ssyncset.done @!p0 $0x0  }
0x87: {  	[sflag:s0] =	ssyncadd.s32 @!p0 s1  }
0x88: {  	[bflag:$0x3] =	sbarrier.arrive $0xFFFF  }
0x89: {  	_ =	shalt  }

// kernel: kernel.8.cloned.1.call-start
scs
__scs_entry_jumppad:
0x0: {  	(pc) =	sbr.rel $0x88, $3  }
0x1: {  	(tag) =	ssettag $0x0;
	lr =	simm.s32 $0x1  }
0x2: {  	[smem:$0x3F9F] =	sst lr;
	_ =	strace $0xD0000000  }
0x3: {  	_ = 	snop  }
0x4: {  	_ = 	snop  }
0x5: {  	_ = 	snop  }
0x6: {  	_ = 	snop  }
0x7: {  	_ = 	snop  }
__scs_overlays_trampoline_lowered:
0x8: {  	[smem:$0x3FAE] =	sst s0  }
0x9: {  	[smem:$0x3FAF] =	sst s1  }
0xa: {  	[smem:$0x3FB0] =	sst s2  }
0xb: {  	[smem:$0x3FB1] =	sst s3  }
0xc: {  	[smem:$0x3FB2] =	sst s4  }
0xd: {  	[smem:$0x3FB3] =	sst s5  }
0xe: {  	[smem:$0x3FB4] =	sst s6  }
0xf: {  	[smem:$0x3FB5] =	sst s7  }
0x10: {  	[smem:$0x3FB6] =	sst s8  }
0x11: {  	[smem:$0x3FB7] =	sst s9;
	s0 =	simm.s32 @!p0 $0x0  }
0x12: {  	s1 =	sld [smem:$0x3F9D];
	s0 =	simm.s32 @p0 $0x1  }
0x13: {  	[smem:$0x3FB8] =	sst s0;
	s0 =	simm.s32 @!p1 $0x0  }
0x14: {  	s2 =	sld [smem:$0x3F9C];
	s0 =	simm.s32 @p1 $0x1  }
0x15: {  	[smem:$0x3FB9] =	sst s0;
	s0 =	simm.s32 @!p2 $0x0  }
0x16: {  	s3 =	sld [smem:$0x3FDB];
	s0 =	simm.s32 @p2 $0x1  }
0x17: {  	s4 =	simm.s32 $0x1BF5;
	[smem:$0x3FBB] =	sst s0  }
0x18: {  	s0 =	sld [smem:$0x3F9E];
	_ =	swait.ge [sflag:s4], $0x0  }
0x19: {  	s7 =	sld [smem:$0x3F9F]  }
0x1a: {  	s8 =	sadd.s32 $0xFFFFE003, lr  }
0x1b: {  	s9 =	sadd.s32 $0xFFFFFEF7, lr;
	s5 =	simm.s32 $0xFFFFFFFF;
	p2 =	slt.u32 s8, $0xFFFFF086  }
0x1c: {  	p1 =	slt.u32 s9, $0xF7A;
	s5 =	simm.s32 @!p2 $0x0  }
0x1d: {  	s5 =	simm.s32 @p1 $0x1;
	p0 =	seq.s32 s7, s2  }
0x1e: {  	s7 =	smul.u32 @!p0 $0xF7A, s2;
	p2 =	seq.s32 @!p0 s5, $0x0  }
0x1f: {  	s9 =	smul.u32 $0xF7A, s1;
	s8 =	simm.s32 @!p0 $0x1BF5;
	p2 =	por !p2, p0  }
0x20: {  	[sflag:s8] =	ssyncset.s32 @!p0 $0xFFFFF086;
	s6 =	sadd.s32 @!p0 s3, s7;
	s7 =	simm.s32 @!p0 $0x108  }
0x21: {  	s3 =	sadd.s32 s3, s9;
	s6 =	sadd.s32 @!p0 $0x88, s6;
	s7 =	simm.s32 @p2 $0x1082  }
0x22: {  	[simem:s7], [sflag:s8] =	dma.local @!p0 [hbm:s6], $0xF7A  }
0x23: {  	s9 =	sor.u32 $0xD0000000, s2;
	s6 =	simm.s32 $0x108;
	_ =	swait.ge @!p0 [sflag:s8], $0x0  }
0x24: {  	s3 =	sadd.s32 $0x88, s3;
	s6 =	simm.s32 @!p1 $0x1082;
	[sflag:s4] =	ssyncset.s32 $0xFFFFF086  }
0x25: {  	[simem:s6], [sflag:s4] =	dma.local [hbm:s3], $0xF7A  }
0x26: {  	[smem:$0x3F9F] =	sst s1;
	(tag) =	ssettag s2;
	_ =	strace s9  }
0x27: {  	s1 =	sld [smem:$0x3FAF]  }
0x28: {  	s2 =	sld [smem:$0x3FB0]  }
0x29: {  	s4 =	sld [smem:$0x3FB2]  }
0x2a: {  	p0 =	seq.s32 s5, $0x0;
	s5 =	sld [smem:$0x3FB3]  }
0x2b: {  	s6 =	sld [smem:$0x3FB4]  }
0x2c: {  	s7 =	sld [smem:$0x3FB5]  }
0x2d: {  	s3 =	simm.s32 $0x108;
	s8 =	sld [smem:$0x3FB6]  }
0x2e: {  	s3 =	simm.s32 @!p0 $0x1082;
	s9 =	sld [smem:$0x3FB7]  }
0x2f: {  	lr =	sadd.s32 s0, s3;
	s0 =	sld [smem:$0x3FAE]  }
0x30: {  	s3 =	sld [smem:$0x3FB1]  }
0x31: {  	[smem:$0x3FBA] =	sst s10  }
0x32: {  	s10 =	sld [smem:$0x3FB8];
	_ =	sdelay $0x3  }
0x33: {  	p0 =	seq.s32 s10, $0x1;
	s10 =	sld [smem:$0x3FBA];
	_ =	sdelay $0x3  }
0x34: {  	[smem:$0x3FBA] =	sst s10  }
0x35: {  	s10 =	sld [smem:$0x3FB9];
	_ =	sdelay $0x3  }
0x36: {  	p1 =	seq.s32 s10, $0x1;
	s10 =	sld [smem:$0x3FBA];
	_ =	sdelay $0x3  }
0x37: {  	[smem:$0x3FBA] =	sst s10  }
0x38: {  	s10 =	sld [smem:$0x3FBB]  }
0x39: {  	_ = 	snop;
	(pc) =	sbr.ind lr, $3  }
0x3a: {  	_ = 	snop  }
0x3b: {  	_ = 	snop  }
0x3c: {  	p2 =	seq.s32 s10, $0x1;
	s10 =	sld [smem:$0x3FBA]  }
0x3d: {  	_ =	shalt  }
0x3e: {  	_ =	shalt  }
0x3f: {  	_ =	shalt  }
0x40: {  	_ =	shalt  }
0x41: {  	_ =	shalt  }
0x42: {  	_ =	shalt  }
0x43: {  	_ =	shalt  }
0x44: {  	_ =	shalt  }
0x45: {  	_ =	shalt  }
0x46: {  	_ =	shalt  }
0x47: {  	_ =	shalt  }
0x48: {  	_ =	shalt  }
0x49: {  	_ =	shalt  }
0x4a: {  	_ =	shalt  }
0x4b: {  	_ =	shalt  }
0x4c: {  	_ =	shalt  }
0x4d: {  	_ =	shalt  }
0x4e: {  	_ =	shalt  }
0x4f: {  	_ =	shalt  }
0x50: {  	_ =	shalt  }
0x51: {  	_ =	shalt  }
0x52: {  	_ =	shalt  }
0x53: {  	_ =	shalt  }
0x54: {  	_ =	shalt  }
0x55: {  	_ =	shalt  }
0x56: {  	_ =	shalt  }
0x57: {  	_ =	shalt  }
0x58: {  	_ =	shalt  }
0x59: {  	_ =	shalt  }
0x5a: {  	_ =	shalt  }
0x5b: {  	_ =	shalt  }
0x5c: {  	_ =	shalt  }
0x5d: {  	_ =	shalt  }
0x5e: {  	_ =	shalt  }
0x5f: {  	_ =	shalt  }
0x60: {  	_ =	shalt  }
0x61: {  	_ =	shalt  }
0x62: {  	_ =	shalt  }
0x63: {  	_ =	shalt  }
0x64: {  	_ =	shalt  }
0x65: {  	_ =	shalt  }
0x66: {  	_ =	shalt  }
0x67: {  	_ =	shalt  }
0x68: {  	_ =	shalt  }
0x69: {  	_ =	shalt  }
0x6a: {  	_ =	shalt  }
0x6b: {  	_ =	shalt  }
0x6c: {  	_ =	shalt  }
0x6d: {  	_ =	shalt  }
0x6e: {  	_ =	shalt  }
0x6f: {  	_ =	shalt  }
0x70: {  	_ =	shalt  }
0x71: {  	_ =	shalt  }
0x72: {  	_ =	shalt  }
0x73: {  	_ =	shalt  }
0x74: {  	_ =	shalt  }
0x75: {  	_ =	shalt  }
0x76: {  	_ =	shalt  }
0x77: {  	_ =	shalt  }
0x78: {  	_ =	shalt  }
0x79: {  	_ =	shalt  }
0x7a: {  	_ =	shalt  }
0x7b: {  	_ =	shalt  }
0x7c: {  	_ =	shalt  }
0x7d: {  	_ =	shalt  }
0x7e: {  	_ =	shalt  }
0x7f: {  	_ =	shalt  }
0x80: {  	_ =	shalt  }
0x81: {  	_ =	shalt  }
0x82: {  	_ =	shalt  }
0x83: {  	_ =	shalt  }
0x84: {  	_ =	shalt  }
0x85: {  	_ =	shalt  }
0x86: {  	_ =	shalt  }
0x87: {  	_ =	shalt  }
.Lfunc_end0:
.L_simem_size_0:
called_computation_lowered:
.L_overlay_start_0:
0x88: {  	s2 =	sld [smem:$0x3FD9]  }
0x89: {  	s3 =	sld [smem:$0x3FFE];
	_ =	sdelay $0x1  }
0x8a: {  	s1 =	srdreg.scid  }
0x8b: {  	s0 =	sand.u32 $0x1, s1  }
0x8c: {  	s17 =	sshll.u32 s0, $0xA;
	s2 =	sadd.s32 s3, s2  }
0x8d: {  	s2 =	sadd.s32 s2, s17  }
0x8e: {  	[smem:$0x3FC6] =	sst s2  }
0x8f: {  	_ = 	snop  }
0x90: {  	s18 =	sld [smem:$0x3FC8];
	(tm) =	ssettm $0x1  }
0x91: {  	s19 =	sld [smem:$0x3FFB];
	_ =	sdelay $0x3  }
0x92: {  	_ =	strace s19  }
0x93: {  	s2 =	sld [smem:$0x3FFC];
	_ =	sdelay $0x3  }
0x94: {  	_ =	strace s2  }
0x95: {  	s2 =	sld [smem:$0x3FFD];
	_ =	sdelay $0x3  }
0x96: {  	_ =	strace s2  }
0x97: {  	_ =	strace $0x8FFFFFFF  }
0x98: {  	s20 =	sld [smem:$0x3FDB];
	_ =	sdelay $0x1  }
0x99: {  	s4 =	simm.s32 $_scs_section_size  }
0x9a: {  	s5 =	simm.s32 $_size__tile_overlayer_lowered;
	s6 =	simm.s32 $_tile_overlayer_lowered  }
0x9b: {  	s7 =	simm.s32 $0x1BFF;
	s21 =	sshll.u32 s6, $0x1;
	s4 =	sadd.s32 s4, s20  }
0x9c: {  	s22 =	simm.s32 $0x0;
	s5 =	sshll.u32 s5, $0x1;
	s6 =	sadd.s32 s21, s4  }
0x9d: {  	[timem:s22], [sflag:s7] =	dma.local [hbm:s6], s5  }
0x9e: {  	_ =	swait.ge [sflag:s7], s5  }
0x9f: {  	s5 =	ssub.s32 $0x0, s5;
	[sflag:s7] =	ssyncset.done $0x0  }
0xa0: {  	[sflag:s7] =	ssyncadd.s32 s5;
	_ =	sdelay $0x1  }
0xa1: {  	s23 =	simm.s32 $0x1B8B  }
0xa2: {  	_ =	swait.ge [sflag:s23], $0x1  }
0xa3: {  	[sflag:s23] =	ssyncset.done $0x0  }
0xa4: {  	[sflag:s23] =	ssyncadd.s32 $0xFFFFFFFF  }
0xa5: {  	s5 =	sld [smem:$0x0]  }
0xa6: {  	s6 =	sand.u32 $0xFFFFFFFE, s1  }
0xa7: {  	p0 =	sne.s32 s1, s6  }
0xa8: {  	s6 =	sshll.u32 @p0 s6, $0xE  }
0xa9: {  	s6 =	sadd.s32 @p0 $0x11B8D, s6;
	s7 =	sshll.u32 @p0 s5, $0x11  }
0xaa: {  	s6 =	sor.u32 @p0 s7, s6  }
0xab: {  	[sflag:s6] =	ssyncadd.remote.s32 @p0 $0x1;
	_ =	sdelay $0x1  }
0xac: {  	s6 =	simm.s32 @p0 $0x1B8D  }
0xad: {  	_ =	swait.eq @p0 [sflag:s6], $0x1  }
0xae: {  	[sflag:s6] =	ssyncadd.s32 @p0 $0xFFFFFFFF  }
0xaf: {  	s7 =	sshll.u32 @!p0 s1, $0xE  }
0xb0: {  	s7 =	sor.u32 @!p0 $0x4000, s7;
	s6 =	simm.s32 @!p0 $0x1B8D  }
0xb1: {  	s5 =	sshll.u32 @!p0 s5, $0x11;
	s7 =	sadd.s32 @!p0 $0x11B8D, s7;
	_ =	swait.eq @!p0 [sflag:s6], $0x1  }
0xb2: {  	s5 =	sor.u32 @!p0 s5, s7;
	[sflag:s6] =	ssyncadd.s32 @!p0 $0xFFFFFFFF  }
0xb3: {  	s25 =	simm.s32 $0x1B8E;
	s24 =	sld [smem:$0x3FFE];
	[sflag:s5] =	ssyncadd.remote.s32 @!p0 $0x1  }
0xb4: {  	s26 =	simm.s32 $execute0_lowered;
	[smem:$0x3FD2] =	sst s25  }
0xb5: {  	s6 =	sshll.u32 s26, $0x1;
	_ =	strace $0x8000004C;
	[dreg:$0x1] =	wrdreg $0xFFFFFFFF  }
0xb6: {  	s28 =	simm.s32 $_size_execute0_lowered;
	s4 =	sadd.s32 s4, s6;
	[dreg:$0x0] =	wrdreg $0x0  }
0xb7: {  	s6 =	sshll.u32 s28, $0x1;
	[dreg:$0x2] =	wrdreg s4  }
0xb8: {  	[dreg:$0x3] =	wrdreg s6  }
0xb9: {  	[dreg:$0x4] =	wrdreg $0xC0  }
0xba: {  	_ =	task [dreg:s22], $0x5FFFF  }
0xbb: {  	[dreg:$0x1] =	wrdreg $0xFFFFFFFF  }
0xbc: {  	[dreg:$0x0] =	wrdreg $0x60  }
0xbd: {  	[dreg:$0x2] =	wrdreg s18  }
0xbe: {  	[dreg:$0x3] =	wrdreg s24  }
0xbf: {  	[dreg:$0x4] =	wrdreg $0x9  }
0xc0: {  	_ =	task.clear_ibuf [dreg:s22], $0x5FFFF;
	_ =	strace $0x9000004C  }
0xc1: {  	s29 =	simm.s32 $0x9;
	_ =	strace $0x8000004E  }
0xc2: {  	_ =	swait.ge [sflag:s29], $0x1  }
0xc3: {  	[sflag:s29] =	ssyncadd.s32 $0xFFFFFFFF  }
0xc4: {  	_ =	strace $0x9000004E  }
0xc5: {  	_ =	sfence  }
0xc6: {  	s30 =	sld [smem:$0x0];
	_ =	sdelay $0x2  }
0xc7: {  	s31 =	sshll.u32 s1, $0xD;
	s1 =	sshrl.u32 s1, $0x2  }
0xc8: {  	s4 =	sand.u32 $0x4000, s31;
	s1 =	sadd.s32 s1, s30  }
0xc9: {  	s0 =	sor.u32 s4, s0;
	s1 =	sshll.u32 s1, $0x11  }
0xca: {  	s0 =	sor.u32 s1, s0  }
0xcb: {  	s0 =	sadd.s32 $0x8F2B, s0  }
0xcc: {  	[sflag:s0] =	ssyncadd.remote.s32 $0x1  }
0xcd: {  	_ =	sfence.sel $0xFFFF  }
0xce: {  	[dreg:$0x0] =	wrdreg $0xFFFFFFFF;
	(pc) =	sbr.abs _section_cstart, $3  }
0xcf: {  	[dreg:$0x1] =	wrdreg $0xFFFFFFFF  }
0xd0: {  	_ =	task.clear_ibuf [dreg:s22], $0x2FFFF;
	_ =	strace $0x9FFFFFFF  }
0xd1: {  	(tm) =	ssettm $0x7FFFFFFF  }
tec
execute0_lowered:
.L_overlay_start_1:
0x0: {  	(tag) =	ssettag $0x1  }
0x1: {  	s1 =	srdreg.scid;
	s2 =	rddreg [dreg:$0x0]  }
0x2: {  	s0 =	stileid.u32;
	s4 =	rddreg [dreg:$0x1]  }
0x3: {  	s7 =	simm.s32 $0x80;
	s8 =	simm.s32 $0x880;
	s9 =	simm.s32 $0x1080  }
0x4: {  	s10 =	simm.s32 $0x1880;
	s11 =	simm.s32 $0x2080;
	s12 =	simm.s32 $0x2880  }
0x5: {  	s13 =	simm.s32 $0x3080;
	s14 =	simm.s32 $0x3880;
	s15 =	simm.s32 $0x4080  }
0x6: {  	s16 =	simm.s32 $0x4880;
	s17 =	simm.s32 $0x5080;
	s18 =	simm.s32 $0x5880  }
0x7: {  	s19 =	simm.s32 $0x6080;
	s20 =	simm.s32 $0x6880;
	s21 =	simm.s32 $0x7080  }
0x8: {  	s22 =	simm.s32 $0x7880;
	s23 =	simm.s32 $0x8080;
	s28 =	simm.s32 $0xA080  }
0x9: {  	s29 =	simm.s32 $0xA880;
	s1 =	sand.u32 $0x1, s1;
	s3 =	sshll.u32 s0, $0x1  }
0xa: {  	s30 =	simm.s32 $0xB080;
	s31 =	simm.s32 $0xB880;
	s5 =	sor.u32 s1, s3  }
0xb: {  	s3 =	simm.s32 $0x0;
	s1 =	ssub.s32 $0x2, s1;
	s6 =	smul.u32 $0xC, s5  }
0xc: {  	[smem:$0x7FF] =	sst s3;
	s5 =	smul.u32 $0x1800, s5;
	s25 =	sshrl.u32 s1, $0x1  }
0xd: {  	_ =	strace $0x8000004D;
	s1 =	ssub.s32 s1, s25;
	s25 =	simm.s32 $0x9080  }
0xe: {  	s6 =	sadd.s32 s6, s4;
	s4 =	sadd.s32 s5, s4;
	s5 =	smax.u32 s1, $0x1  }
0xf: {  	v2 =	vlaneseq.u32;
	s1 =	simm.s32 $0x1;
	s24 =	sadd.s32 $0x61600, s6;
	s26 =	sadd.s32 $0x61800, s4  }
0x10: {  	vm0 =	vmmov $0xffff;
	v1 =	vshrl.u32 v2, $0x3;
	s4 =	sadd.s32 $0x100, s2;
	s6 =	simm.s32 $0x2;
	[dreg:$0x3] =	wrdreg s24  }
0x11: {  	v0 =	vand.u32 $0x7, v2;
	v2 =	vor.u32 $0x8, v2;
	v1 =	vmul.u32 $0x8, v1;
	[dreg:$0x4] =	wrdreg s26;
	s24 =	simm.s32 $0x8880;
	s26 =	simm.s32 $0x9880  }
.LBB2_1:
0x12: {  	s0 =	rddreg [dreg:$0x3]  }
0x13: {  	[tilespmem:s3], [sflag:$0x2] =	stream.linear.gather [hbm4b:s0+s3], $0x60, $0x38;
	[tilespmem:$0xC080] =	vst v63  }
0x14: {  	_ =	swait.ge [sflag:s6], $0x60  }
0x15: {  	[sflag:s6] =	ssyncset.done $0x0  }
0x16: {  	[sflag:s6] =	ssyncadd.s32 $0xFFFFFFA0  }
0x17: {  	v3 =	vld [tilespmem:$0x0];
	_ =	sdelay $0x4  }
0x18: {  	v4 =	vshll.u32 v3, $0x2  }
0x19: {  	v3 =	vand.u32 $0x7, v3;
	v4 =	vand.u32 $0xFFFFFFE0, v4  }
0x1a: {  	v3 =	vor.u32 v3, v4  }
0x1b: {  	v4 =	vperm.xlane v3, v0;
	_ =	sdelay $0x1  }
0x1c: {  	v4 =	vadd.s32 v1, v4;
	_ =	sdelay $0x1  }
0x1d: {  	v3 =	vperm.xlane v3, v2;
	_ =	sdelay $0x1  }
0x1e: {  	v3 =	vadd.s32 v1, v3  }
0x1f: {  	[tilespmem:s7], [sflag:$0x1] =	stream.indirect_vreg.gather [hbm4b:s2+s3], $0x80, v4, vm0, $0xb8;
	[tilespmem:$0xC080] =	vst v63  }
0x20: {  	_ = 	snop  }
0x21: {  	[tilespmem:s8], [sflag:$0x1] =	stream.indirect_vreg.gather [hbm4b:s4+s3], $0x80, v4, vm0, $0xb8;
	[tilespmem:$0xC080] =	vst v63  }
0x22: {  	_ = 	snop  }
0x23: {  	[tilespmem:s9], [sflag:$0x1] =	stream.indirect_vreg.gather [hbm4b:s2+s3], $0x80, v3, vm0, $0xb8;
	[tilespmem:$0xC080] =	vst v63  }
0x24: {  	_ = 	snop  }
0x25: {  	[tilespmem:s10], [sflag:$0x1] =	stream.indirect_vreg.gather [hbm4b:s4+s3], $0x80, v3, vm0, $0xb8;
	[tilespmem:$0xC080] =	vst v63  }
0x26: {  	v3 =	vld [tilespmem:$0x10];
	_ =	sdelay $0x4  }
0x27: {  	v59 =	vshll.u32 v3, $0x2  }
0x28: {  	v3 =	vand.u32 $0x7, v3;
	v4 =	vand.u32 $0xFFFFFFE0, v59  }
0x29: {  	v3 =	vor.u32 v3, v4  }
0x2a: {  	v4 =	vperm.xlane v3, v0;
	_ =	sdelay $0x1  }
0x2b: {  	v4 =	vadd.s32 v1, v4;
	_ =	sdelay $0x1  }
0x2c: {  	v3 =	vperm.xlane v3, v2;
	_ =	sdelay $0x1  }
0x2d: {  	v3 =	vadd.s32 v1, v3  }
0x2e: {  	[tilespmem:s11], [sflag:$0x1] =	stream.indirect_vreg.gather [hbm4b:s2+s3], $0x80, v4, vm0, $0xb8;
	[tilespmem:$0xC080] =	vst v63  }
0x2f: {  	_ = 	snop  }
0x30: {  	[tilespmem:s12], [sflag:$0x1] =	stream.indirect_vreg.gather [hbm4b:s4+s3], $0x80, v4, vm0, $0xb8;
	[tilespmem:$0xC080] =	vst v63  }
0x31: {  	_ = 	snop  }
0x32: {  	[tilespmem:s13], [sflag:$0x1] =	stream.indirect_vreg.gather [hbm4b:s2+s3], $0x80, v3, vm0, $0xb8;
	[tilespmem:$0xC080] =	vst v63  }
0x33: {  	_ = 	snop  }
0x34: {  	[tilespmem:s14], [sflag:$0x1] =	stream.indirect_vreg.gather [hbm4b:s4+s3], $0x80, v3, vm0, $0xb8;
	[tilespmem:$0xC080] =	vst v63  }
0x35: {  	v3 =	vld [tilespmem:$0x20];
	_ =	sdelay $0x4  }
0x36: {  	v60 =	vshll.u32 v3, $0x2  }
0x37: {  	v3 =	vand.u32 $0x7, v3;
	v4 =	vand.u32 $0xFFFFFFE0, v60  }
0x38: {  	v3 =	vor.u32 v3, v4  }
0x39: {  	v4 =	vperm.xlane v3, v0;
	_ =	sdelay $0x1  }
0x3a: {  	v4 =	vadd.s32 v1, v4;
	_ =	sdelay $0x1  }
0x3b: {  	v3 =	vperm.xlane v3, v2;
	_ =	sdelay $0x1  }
0x3c: {  	v3 =	vadd.s32 v1, v3  }
0x3d: {  	[tilespmem:s15], [sflag:$0x1] =	stream.indirect_vreg.gather [hbm4b:s2+s3], $0x80, v4, vm0, $0xb8;
	[tilespmem:$0xC080] =	vst v63  }
0x3e: {  	_ = 	snop  }
0x3f: {  	[tilespmem:s16], [sflag:$0x1] =	stream.indirect_vreg.gather [hbm4b:s4+s3], $0x80, v4, vm0, $0xb8;
	[tilespmem:$0xC080] =	vst v63  }
0x40: {  	_ = 	snop  }
0x41: {  	[tilespmem:s17], [sflag:$0x1] =	stream.indirect_vreg.gather [hbm4b:s2+s3], $0x80, v3, vm0, $0xb8;
	[tilespmem:$0xC080] =	vst v63  }
0x42: {  	_ = 	snop  }
0x43: {  	[tilespmem:s18], [sflag:$0x1] =	stream.indirect_vreg.gather [hbm4b:s4+s3], $0x80, v3, vm0, $0xb8;
	[tilespmem:$0xC080] =	vst v63  }
0x44: {  	v3 =	vld [tilespmem:$0x30];
	_ =	sdelay $0x4  }
0x45: {  	v61 =	vshll.u32 v3, $0x2  }
0x46: {  	v3 =	vand.u32 $0x7, v3;
	v4 =	vand.u32 $0xFFFFFFE0, v61  }
0x47: {  	v3 =	vor.u32 v3, v4  }
0x48: {  	v4 =	vperm.xlane v3, v0;
	_ =	sdelay $0x1  }
0x49: {  	v4 =	vadd.s32 v1, v4;
	_ =	sdelay $0x1  }
0x4a: {  	v3 =	vperm.xlane v3, v2;
	_ =	sdelay $0x1  }
0x4b: {  	v3 =	vadd.s32 v1, v3  }
0x4c: {  	[tilespmem:s19], [sflag:$0x1] =	stream.indirect_vreg.gather [hbm4b:s2+s3], $0x80, v4, vm0, $0xb8;
	[tilespmem:$0xC080] =	vst v63  }
0x4d: {  	_ = 	snop  }
0x4e: {  	[tilespmem:s20], [sflag:$0x1] =	stream.indirect_vreg.gather [hbm4b:s4+s3], $0x80, v4, vm0, $0xb8;
	[tilespmem:$0xC080] =	vst v63  }
0x4f: {  	_ = 	snop  }
0x50: {  	[tilespmem:s21], [sflag:$0x1] =	stream.indirect_vreg.gather [hbm4b:s2+s3], $0x80, v3, vm0, $0xb8;
	[tilespmem:$0xC080] =	vst v63  }
0x51: {  	_ = 	snop  }
0x52: {  	[tilespmem:s22], [sflag:$0x1] =	stream.indirect_vreg.gather [hbm4b:s4+s3], $0x80, v3, vm0, $0xb8;
	[tilespmem:$0xC080] =	vst v63  }
0x53: {  	v3 =	vld [tilespmem:$0x40];
	_ =	sdelay $0x4  }
0x54: {  	v62 =	vshll.u32 v3, $0x2  }
0x55: {  	v3 =	vand.u32 $0x7, v3;
	v4 =	vand.u32 $0xFFFFFFE0, v62  }
0x56: {  	v3 =	vor.u32 v3, v4  }
0x57: {  	v4 =	vperm.xlane v3, v0;
	_ =	sdelay $0x1  }
0x58: {  	v4 =	vadd.s32 v1, v4;
	_ =	sdelay $0x1  }
0x59: {  	v3 =	vperm.xlane v3, v2;
	_ =	sdelay $0x1  }
0x5a: {  	v3 =	vadd.s32 v1, v3  }
0x5b: {  	[tilespmem:s23], [sflag:$0x1] =	stream.indirect_vreg.gather [hbm4b:s2+s3], $0x80, v4, vm0, $0xb8;
	[tilespmem:$0xC080] =	vst v63  }
0x5c: {  	_ = 	snop  }
0x5d: {  	[tilespmem:s24], [sflag:$0x1] =	stream.indirect_vreg.gather [hbm4b:s4+s3], $0x80, v4, vm0, $0xb8;
	[tilespmem:$0xC080] =	vst v63  }
0x5e: {  	_ = 	snop  }
0x5f: {  	[tilespmem:s25], [sflag:$0x1] =	stream.indirect_vreg.gather [hbm4b:s2+s3], $0x80, v3, vm0, $0xb8;
	[tilespmem:$0xC080] =	vst v63  }
0x60: {  	_ = 	snop  }
0x61: {  	[tilespmem:s26], [sflag:$0x1] =	stream.indirect_vreg.gather [hbm4b:s4+s3], $0x80, v3, vm0, $0xb8;
	[tilespmem:$0xC080] =	vst v63  }
0x62: {  	v3 =	vld [tilespmem:$0x50];
	_ =	sdelay $0x4  }
0x63: {  	v63 =	vshll.u32 v3, $0x2  }
0x64: {  	v3 =	vand.u32 $0x7, v3;
	v4 =	vand.u32 $0xFFFFFFE0, v63  }
0x65: {  	v3 =	vor.u32 v3, v4  }
0x66: {  	v4 =	vperm.xlane v3, v0;
	_ =	sdelay $0x1  }
0x67: {  	v4 =	vadd.s32 v1, v4;
	_ =	sdelay $0x1  }
0x68: {  	v3 =	vperm.xlane v3, v2;
	_ =	sdelay $0x1  }
0x69: {  	v3 =	vadd.s32 v1, v3  }
0x6a: {  	[tilespmem:s28], [sflag:$0x1] =	stream.indirect_vreg.gather [hbm4b:s2+s3], $0x80, v4, vm0, $0xb8;
	[tilespmem:$0xC080] =	vst v63  }
0x6b: {  	_ = 	snop  }
0x6c: {  	[tilespmem:s29], [sflag:$0x1] =	stream.indirect_vreg.gather [hbm4b:s4+s3], $0x80, v4, vm0, $0xb8;
	[tilespmem:$0xC080] =	vst v63  }
0x6d: {  	_ = 	snop  }
0x6e: {  	[tilespmem:s30], [sflag:$0x1] =	stream.indirect_vreg.gather [hbm4b:s2+s3], $0x80, v3, vm0, $0xb8;
	[tilespmem:$0xC080] =	vst v63  }
0x6f: {  	_ = 	snop  }
0x70: {  	[tilespmem:s31], [sflag:$0x1] =	stream.indirect_vreg.gather [hbm4b:s4+s3], $0x80, v3, vm0, $0xb8;
	[tilespmem:$0xC080] =	vst v63  }
0x71: {  	_ =	swait.ge [sflag:s1], $0xC000  }
0x72: {  	p0 =	sne.s32 s5, $0x1;
	[sflag:s1] =	ssyncset.done $0x0  }
.Ltmp0:
0x73: {  	s0 =	rddreg [dreg:$0x4];
	[sflag:s1] =	ssyncadd.s32 $0xFFFF4000;
	(pc) =	sbr.rel @p0 .LBB2_1-.Ltmp0, $4  }
0x74: {  	[hbm4b:s0+s3] =	stream.linear.scatter [tilespmem:s7], [sflag:$0x2], $0xC000, $0x38;
	[tilespmem:$0xC080] =	vst v63  }
0x75: {  	_ =	swait.ge [sflag:s6], $0xC000  }
0x76: {  	[sflag:s6] =	ssyncset.done $0x0  }
0x77: {  	s5 =	sadd.s32 $0xFFFFFFFF, s5;
	[sflag:s6] =	ssyncadd.s32 $0xFFFF4000  }
0x78: {  	_ =	sfence.sel $0x180000  }
0x79: {  	[bflag:$0x0] =	sbarrier.arrive $0xFFFF  }
0x7a: {  	_ =	strace $0x9000004D  }
0x7b: {  	s0 =	stileid.u32;
	[bflag:$0x2] =	sbarrier.arrive $0xFFFF  }
0x7c: {  	p0 =	sne.s32 s0, $0x0;
	s0 =	rddreg [dreg:$0x2]  }
0x7d: {  	s0 =	sadd.s32 @!p0 $0x100000, s0  }
0x7e: {  	[sflag:s0] =	ssyncadd.tile.s32 @!p0 $0x1;
	_ =	shalt  }
.Lfunc_end2:
_tile_overlayer_lowered:
.L_overlay_start_2:
0x7f: {  	(tag) =	ssettag $0x2  }
0x80: {  	s0 =	rddreg [dreg:$0x0];
	s2 =	stileid.u32  }
0x81: {  	s1 =	rddreg [dreg:$0x1];
	p0 =	sne.s32 s2, $0x0  }
0x82: {  	s3 =	rddreg [dreg:$0x2];
	[bflag:$0x3] =	sbarrier.arrive $0xFFFF;
	s2 =	simm.s32 @!p0 $0x1C02  }
0x83: {  	[timem:s3], [sflag:s2] =	dma.local @!p0 [hbm:s0], s1  }
0x84: {  	s0 =	simm.s32 @!p0 $0x2  }
0x85: {  	_ =	swait.ge @!p0 [sflag:s0], s1  }
0x86: {  	s1 =	ssub.s32 @!p0 $0x0, s1;
	[sflag:s0] =	ssyncset.done @!p0 $0x0  }
0x87: {  	[sflag:s0] =	ssyncadd.s32 @!p0 s1  }
0x88: {  	[bflag:$0x3] =	sbarrier.arrive $0xFFFF  }
0x89: {  	_ =	shalt  }

</sc_bundles>
